<compile_context>
chip_gen: v7x
topology: tpu7x:2x2x1
jax: 0.10.2.dev20260603
libtpu: 0.0.44.dev20260713+nightly
codegen_flags: <defaults>
</compile_context>

<pallas_src>
import functools
import jax
import jax.numpy as jnp
from jax import lax
from jax.experimental import pallas as pl
from jax.experimental.pallas import tpu as pltpu
from jax.experimental.pallas import tpu_sc as plsc


def _make_sc_kernel(B, maxlen, D, W):
    info = plsc.get_sparse_core_info()
    NC, NS, L = info.num_cores, info.num_subcores, info.num_lanes
    NW = NC * NS
    C = 128
    n_phases = maxlen // C
    n_chunks = (B * maxlen) // (NW * C)
    n_pairs = n_chunks // 2
    n_tg = C // L
    mesh = plsc.VectorSubcoreMesh(core_axis_name="c", subcore_axis_name="s")

    @functools.partial(
        pl.kernel,
        mesh=mesh,
        compiler_params=pltpu.CompilerParams(
            use_tc_tiling_on_sc=True, needs_layout_passes=False
        ),
        out_type=jax.ShapeDtypeStruct((B, D, maxlen), jnp.float32),
        scratch_types=[
            pltpu.VMEM((192 * C,), jnp.int32),
            pltpu.VMEM((n_phases, D, C), jnp.float32),
            pltpu.VMEM((C, W), jnp.float32),
            pltpu.VMEM((C, W), jnp.float32),
            pltpu.VMEM((D, C), jnp.float32),
            pltpu.VMEM((D, C), jnp.float32),
            pltpu.SemaphoreType.DMA,
            pltpu.SemaphoreType.DMA,
            pltpu.SemaphoreType.DMA,
            pltpu.SemaphoreType.DMA,
        ],
    )
    def k(x_hbm, tok_hbm, pos_hbm, out_hbm,
          idx_all, pos_v, rows0, rows1, plane0, plane1,
          semg0, semg1, sems0, sems1):
        wid = lax.axis_index("s") * NC + lax.axis_index("c")
        first = wid * n_chunks
        pltpu.sync_copy(pos_hbm, pos_v)

        row_iota = jax.lax.iota(jnp.int32, L)

        def compute_store(rows, plane, sem, chunk):
            batch = chunk // n_phases
            phase = lax.rem(chunk, n_phases)
            dst = out_hbm.at[batch, :, pl.ds(phase * C, C)]

            @pl.when(chunk >= first + 2)
            def _():
                pltpu.make_async_copy(plane, dst, sem).wait()

            @plsc.parallel_loop(0, D, 1, unroll=2)
            def init_loop(f):
                for tg in range(n_tg):
                    plane[f, pl.ds(tg * L, L)] = pos_v[
                        phase, f, pl.ds(tg * L, L)
                    ]

            @plsc.parallel_loop(0, D, 1, unroll=4)
            def tr_loop(f):
                cvec = jnp.full((L,), f, jnp.int32)
                for tg in range(n_tg):
                    vals = plsc.load_gather(rows, [row_iota + tg * L, cvec])
                    plsc.addupdate(plane.at[f, pl.ds(tg * L, L)], vals)

            pltpu.async_copy(plane, dst, sem)

        pltpu.sync_copy(x_hbm.at[pl.ds(first * C, n_chunks * C)], idx_all)

        def gidx(c_local):
            return idx_all.at[pl.ds(c_local * C, C)]

        pltpu.async_copy(tok_hbm.at[gidx(0)], rows0, semg0)

        def pair_body(j, carry):
            ca = first + 2 * j
            pltpu.async_copy(tok_hbm.at[gidx(2 * j + 1)], rows1, semg1)
            pltpu.make_async_copy(tok_hbm.at[gidx(2 * j)], rows0, semg0).wait()
            compute_store(rows0, plane0, sems0, ca)
            @pl.when(j + 1 < n_pairs)
            def _():
                pltpu.async_copy(tok_hbm.at[gidx(2 * j + 2)], rows0, semg0)
            pltpu.make_async_copy(tok_hbm.at[gidx(2 * j + 1)], rows1, semg1).wait()
            compute_store(rows1, plane1, sems1, ca + 1)
            return carry

        lax.fori_loop(0, n_pairs, pair_body, 0)

        last = first + n_chunks - 1
        for plane, sem, chunk in ((plane0, sems0, last - 1), (plane1, sems1, last)):
            batch = chunk // n_phases
            phase = chunk % n_phases
            pltpu.make_async_copy(
                plane, out_hbm.at[batch, :, pl.ds(phase * C, C)], sem
            ).wait()

    return k


def kernel(x, token_table, pos_table):
    B, maxlen = x.shape
    V, D = token_table.shape
    W = 2 * D
    x_flat = x.reshape(-1).astype(jnp.int32)
    tok_p = jnp.pad(token_table, ((0, 0), (0, W - D)))
    pos_p = pos_table.T.reshape(D, maxlen // 128, 128).swapaxes(0, 1)
    k = _make_sc_kernel(B, maxlen, D, W)
    out_t = k(x_flat, tok_p, pos_p)
    return out_t.transpose(0, 2, 1)

# --- scband reference (transcript-rebuilt; emitter-appended) ---
"""Pipeline reference for scband-gptembedding-25864293057280 (READ-ONLY COPY).

The authoritative reference and input builder live on the scoring server;
editing this copy changes nothing except your own understanding.
"""

import jax, jax.numpy as jnp
import numpy as np

MAXLEN = 768
VOCAB = 1000000
EMBED_DIM = 64
BATCH = 1024

def setup_inputs(seed: int = 0) -> dict:
    key = jax.random.key(seed)
    k1, k2, k3 = jax.random.split(key, 3)
    x = jax.random.randint(k1, (BATCH, MAXLEN), 0, VOCAB, dtype=jnp.int64 if jax.config.jax_enable_x64 else jnp.int32)
    token_table = jax.random.normal(k2, (VOCAB, EMBED_DIM), dtype=jnp.float32) * 0.02
    pos_table = jax.random.normal(k3, (MAXLEN, EMBED_DIM), dtype=jnp.float32) * 0.02
    return {"x": x, "token_table": token_table, "pos_table": pos_table}

def reference(x, token_table, pos_table):
    # GPTembedding.call: token embedding lookup + positional embedding broadcast-add
    maxlen = x.shape[-1]
    position = jnp.arange(0, maxlen)
    positions = jnp.take(pos_table, position, axis=0)          # [maxlen, embed_dim]
    tok = jnp.take(token_table, x, axis=0)                      # [B, maxlen, embed_dim]
    return tok + positions

if __name__ == "__main__":
    import jax
    _d = setup_inputs()
    print(jax.jit(kernel)(*tuple(_d.values())))

</pallas_src>

<mosaic_0001>
#map = affine_map<(d0, d1) -> (0)>
#map1 = affine_map<(d0, d1) -> (0, 0)>
#map2 = affine_map<(d0, d1) -> (0, 0, 0)>
module attributes {stable_mosaic.version = 14 : i64} {
  func.func @k(%arg0: i32, %arg1: i32, %arg2: memref<786432xi32, #tpu.memory_space<hbm>>, %arg3: memref<1000000x128xf32, #tpu.memory_space<hbm>>, %arg4: memref<6x64x128xf32, #tpu.memory_space<hbm>>, %arg5: memref<1024x64x768xf32, #tpu.memory_space<hbm>>, %arg6: memref<24576xi32, #tpu.memory_space<vmem>>, %arg7: memref<6x64x128xf32, #tpu.memory_space<vmem>>, %arg8: memref<128x128xf32, #tpu.memory_space<vmem>>, %arg9: memref<128x128xf32, #tpu.memory_space<vmem>>, %arg10: memref<64x128xf32, #tpu.memory_space<vmem>>, %arg11: memref<64x128xf32, #tpu.memory_space<vmem>>, %arg12: memref<!tpu.dma_semaphore, #tpu.memory_space<semaphore_mem>>, %arg13: memref<!tpu.dma_semaphore, #tpu.memory_space<semaphore_mem>>, %arg14: memref<!tpu.dma_semaphore, #tpu.memory_space<semaphore_mem>>, %arg15: memref<!tpu.dma_semaphore, #tpu.memory_space<semaphore_mem>>) attributes {dimension_semantics = [#tpu.dimension_semantics<core_parallel>, #tpu.dimension_semantics<subcore_parallel>], iteration_bounds = array<i64: 2, 16>, scalar_prefetch = 0 : i64, scratch_operands = 10 : i64, tpu.core_type = #tpu.core_type<sc_vector_subcore>, window_params = [{transform_indices = #map}, {transform_indices = #map1}, {transform_indices = #map2}, {transform_indices = #map2}]} {
    %mul3A = arith.constant 2 : i32
    %mul3A_0 = arith.muli %arg1, %mul3A : i32
    %add3A = arith.addi %mul3A_0, %arg0 : i32
    %mul3A_1 = arith.constant 192 : i32
    %mul3A_2 = arith.muli %add3A, %mul3A_1 : i32
    "tpu.region"() ({
      %run_scoped3A = tpu.sem_alloc : memref<!tpu.dma_semaphore, #tpu.memory_space<semaphore_mem>>
      tpu.enqueue_dma source(%arg4 : memref<6x64x128xf32, #tpu.memory_space<hbm>>) target(%arg7 : memref<6x64x128xf32, #tpu.memory_space<vmem>>) target_semaphore(%run_scoped3A : memref<!tpu.dma_semaphore, #tpu.memory_space<semaphore_mem>>)
      tpu.wait_dma2 semaphore(%run_scoped3A : memref<!tpu.dma_semaphore, #tpu.memory_space<semaphore_mem>>) src(%arg4 : memref<6x64x128xf32, #tpu.memory_space<hbm>>) dst(%arg7 : memref<6x64x128xf32, #tpu.memory_space<vmem>>)
      tpu.yield
    }) : () -> ()
    %iota3A = tpu.iota {dimensions = array<i32: 0>} : vector<16xi32>
    %mul3A_3 = arith.constant 128 : i32
    %mul3A_4 = arith.muli %mul3A_2, %mul3A_3 : i32
    "tpu.region"() ({
      %run_scoped3A = tpu.sem_alloc : memref<!tpu.dma_semaphore, #tpu.memory_space<semaphore_mem>>
      %dma_start3A_105 = tpu.memref_slice %arg2[%mul3A_4] : memref<786432xi32, #tpu.memory_space<hbm>> -> memref<24576xi32, #tpu.memory_space<hbm>>
      %dma_start3A_106 = tpu.memref_slice %arg2[%mul3A_4] : memref<786432xi32, #tpu.memory_space<hbm>> -> memref<24576xi32, #tpu.memory_space<hbm>>
      tpu.enqueue_dma source(%dma_start3A_106 : memref<24576xi32, #tpu.memory_space<hbm>>) target(%arg6 : memref<24576xi32, #tpu.memory_space<vmem>>) target_semaphore(%run_scoped3A : memref<!tpu.dma_semaphore, #tpu.memory_space<semaphore_mem>>)
      %dma_wait3A_107 = tpu.memref_slice %arg2[%mul3A_4] : memref<786432xi32, #tpu.memory_space<hbm>> -> memref<24576xi32, #tpu.memory_space<hbm>>
      %dma_wait3A_108 = tpu.memref_slice %arg2[%mul3A_4] : memref<786432xi32, #tpu.memory_space<hbm>> -> memref<24576xi32, #tpu.memory_space<hbm>>
      tpu.wait_dma2 semaphore(%run_scoped3A : memref<!tpu.dma_semaphore, #tpu.memory_space<semaphore_mem>>) src(%dma_wait3A_108 : memref<24576xi32, #tpu.memory_space<hbm>>) dst(%arg6 : memref<24576xi32, #tpu.memory_space<vmem>>)
      tpu.yield
    }) : () -> ()
    %dma_start3A = arith.constant 0 : i32
    %dma_start3A_5 = tpu.memref_slice %arg6[%dma_start3A] : memref<24576xi32, #tpu.memory_space<vmem>> -> memref<128xi32, #tpu.memory_space<vmem>>
    %dma_start3A_6 = arith.constant 0 : i32
    %dma_start3A_7 = arith.constant 0 : i32
    %dma_start3A_8 = tpu.memref_slice %arg3[%dma_start3A_6, %dma_start3A_7] : memref<1000000x128xf32, #tpu.memory_space<hbm>> -> memref<1000000x128xf32, #tpu.memory_space<hbm>>
    tpu.enqueue_indirect_dma source(%dma_start3A_8 : memref<1000000x128xf32, #tpu.memory_space<hbm>>) target(%arg8 : memref<128x128xf32, #tpu.memory_space<vmem>>) offsets(%dma_start3A_5 : memref<128xi32, #tpu.memory_space<vmem>>) semaphore(%arg12 : memref<!tpu.dma_semaphore, #tpu.memory_space<semaphore_mem>>)
    %scan3A = arith.constant 0 : i32
    %scan3A_9 = arith.constant 0 : i32
    %scan3A_10 = arith.constant 96 : i32
    %scan3A_11 = arith.addi %scan3A_9, %scan3A_10 : i32
    %scan3A_12 = arith.constant 1 : i32
    scf.for %scan3A_105 = %scan3A_9 to %scan3A_11 step %scan3A_12  : i32 {
      %mul3A_106 = arith.constant 2 : i32
      %mul3A_107 = arith.muli %mul3A_106, %scan3A_105 : i32
      %add3A_108 = arith.addi %mul3A_2, %mul3A_107 : i32
      %mul3A_109 = arith.constant 2 : i32
      %mul3A_110 = arith.muli %mul3A_109, %scan3A_105 : i32
      %add3A_111 = arith.constant 1 : i32
      %add3A_112 = arith.addi %mul3A_110, %add3A_111 : i32
      %mul3A_113 = arith.constant 128 : i32
      %mul3A_114 = arith.muli %add3A_112, %mul3A_113 : i32
      %dma_start3A_115 = tpu.memref_slice %arg6[%mul3A_114] : memref<24576xi32, #tpu.memory_space<vmem>> -> memref<128xi32, #tpu.memory_space<vmem>>
      %dma_start3A_116 = arith.constant 0 : i32
      %dma_start3A_117 = arith.constant 0 : i32
      %dma_start3A_118 = tpu.memref_slice %arg3[%dma_start3A_116, %dma_start3A_117] : memref<1000000x128xf32, #tpu.memory_space<hbm>> -> memref<1000000x128xf32, #tpu.memory_space<hbm>>
      tpu.enqueue_indirect_dma source(%dma_start3A_118 : memref<1000000x128xf32, #tpu.memory_space<hbm>>) target(%arg9 : memref<128x128xf32, #tpu.memory_space<vmem>>) offsets(%dma_start3A_115 : memref<128xi32, #tpu.memory_space<vmem>>) semaphore(%arg13 : memref<!tpu.dma_semaphore, #tpu.memory_space<semaphore_mem>>)
      %mul3A_119 = arith.constant 2 : i32
      %mul3A_120 = arith.muli %mul3A_119, %scan3A_105 : i32
      %mul3A_121 = arith.constant 128 : i32
      %mul3A_122 = arith.muli %mul3A_120, %mul3A_121 : i32
      %dma_wait3A_123 = tpu.memref_slice %arg6[%mul3A_122] : memref<24576xi32, #tpu.memory_space<vmem>> -> memref<128xi32, #tpu.memory_space<vmem>>
      %dma_wait3A_124 = arith.constant 0 : i32
      %dma_wait3A_125 = arith.constant 0 : i32
      %dma_wait3A_126 = tpu.memref_slice %arg3[%dma_wait3A_124, %dma_wait3A_125] : memref<1000000x128xf32, #tpu.memory_space<hbm>> -> memref<1000000x128xf32, #tpu.memory_space<hbm>>
      tpu.wait_indirect_dma semaphore(%arg12 : memref<!tpu.dma_semaphore, #tpu.memory_space<semaphore_mem>>) src(%dma_wait3A_126 : memref<1000000x128xf32, #tpu.memory_space<hbm>>) dst(%arg8 : memref<128x128xf32, #tpu.memory_space<vmem>>)
      %jit3A_127 = arith.constant 6 : i32
      %div3A_128 = arith.divsi %add3A_108, %jit3A_127 : i32
      %sign3A_129 = arith.constant 0 : i32
      %sign3A_130 = arith.cmpi sgt, %add3A_108, %sign3A_129 : i32
      %sign3A_131 = arith.extui %sign3A_130 : i1 to i32
      %sign3A_132 = arith.constant 0 : i32
      %sign3A_133 = arith.cmpi slt, %add3A_108, %sign3A_132 : i32
      %sign3A_134 = arith.extui %sign3A_133 : i1 to i32
      %sign3A_135 = arith.subi %sign3A_131, %sign3A_134 : i32
      %sign3A_136 = arith.constant 0 : i32
      %sign3A_137 = arith.cmpi sgt, %jit3A_127, %sign3A_136 : i32
      %sign3A_138 = arith.extui %sign3A_137 : i1 to i32
      %sign3A_139 = arith.constant 0 : i32
      %sign3A_140 = arith.cmpi slt, %jit3A_127, %sign3A_139 : i32
      %sign3A_141 = arith.extui %sign3A_140 : i1 to i32
      %sign3A_142 = arith.subi %sign3A_138, %sign3A_141 : i32
      %ne3A_143 = arith.cmpi ne, %sign3A_135, %sign3A_142 : i32
      %rem3A_144 = arith.remsi %add3A_108, %jit3A_127 : i32
      %ne3A_145 = arith.constant 0 : i32
      %ne3A_146 = arith.cmpi ne, %rem3A_144, %ne3A_145 : i32
      %and3A_147 = arith.andi %ne3A_143, %ne3A_146 : i1
      %sub3A_148 = arith.constant 1 : i32
      %sub3A_149 = arith.subi %div3A_128, %sub3A_148 : i32
      %select_n3A_150 = arith.select %and3A_147, %sub3A_149, %div3A_128 : i32
      %rem3A_151 = arith.constant 6 : i32
      %rem3A_152 = arith.remsi %add3A_108, %rem3A_151 : i32
      %mul3A_153 = arith.constant 128 : i32
      %mul3A_154 = arith.muli %rem3A_152, %mul3A_153 : i32
      %add3A_155 = arith.constant 2 : i32
      %add3A_156 = arith.addi %mul3A_2, %add3A_155 : i32
      %ge3A = arith.cmpi sge, %add3A_108, %add3A_156 : i32
      %convert_element_type3A = arith.extui %ge3A : i1 to i32
      %cond3A = arith.constant 0 : i32
      %cond3A_157 = arith.cmpi ne, %convert_element_type3A, %cond3A : i32
      scf.if %cond3A_157 {
        %dma_wait3A_234 = arith.constant 0 : i32
        %dma_wait3A_235 = tpu.memref_slice %arg5[%select_n3A_150, %dma_wait3A_234, %mul3A_154] : memref<1024x64x768xf32, #tpu.memory_space<hbm>> -> memref<1x64x128xf32, #tpu.memory_space<hbm>>
        %dma_wait3A_236 = tpu.memref_squeeze %dma_wait3A_235 : memref<1x64x128xf32, #tpu.memory_space<hbm>> -> memref<64x128xf32, #tpu.memory_space<hbm>>
        %dma_wait3A_237 = arith.constant 0 : i32
        %dma_wait3A_238 = tpu.memref_slice %arg5[%select_n3A_150, %dma_wait3A_237, %mul3A_154] : memref<1024x64x768xf32, #tpu.memory_space<hbm>> -> memref<1x64x128xf32, #tpu.memory_space<hbm>>
        %dma_wait3A_239 = tpu.memref_squeeze %dma_wait3A_238 : memref<1x64x128xf32, #tpu.memory_space<hbm>> -> memref<64x128xf32, #tpu.memory_space<hbm>>
        tpu.wait_dma2 semaphore(%arg14 : memref<!tpu.dma_semaphore, #tpu.memory_space<semaphore_mem>>) src(%arg10 : memref<64x128xf32, #tpu.memory_space<vmem>>) dst(%dma_wait3A_239 : memref<64x128xf32, #tpu.memory_space<hbm>>)
      } else {
      }
      %parallel_loop3A = arith.constant 0 : i32
      %parallel_loop3A_158 = arith.constant 64 : i32
      %parallel_loop3A_159 = arith.constant 1 : i32
      scf.for %parallel_loop3A_234 = %parallel_loop3A to %parallel_loop3A_158 step %parallel_loop3A_159  : i32 {
        %parallel_loop3A_235 = arith.index_cast %rem3A_152 : i32 to index
        %parallel_loop3A_236 = arith.index_cast %parallel_loop3A_234 : i32 to index
        %parallel_loop3A_237 = arith.constant 0 : index
        %parallel_loop3A_238 = tpu.vector_load %arg7[%parallel_loop3A_235, %parallel_loop3A_236, %parallel_loop3A_237] {strides = array<i32>} : memref<6x64x128xf32, #tpu.memory_space<vmem>>, vector<16xf32>,
        %parallel_loop3A_239 = arith.index_cast %parallel_loop3A_234 : i32 to index
        %parallel_loop3A_240 = arith.constant 0 : index
        %parallel_loop3A_241 = tpu.vector_load %arg10[%parallel_loop3A_239, %parallel_loop3A_240] {strides = array<i32>} : memref<64x128xf32, #tpu.memory_space<vmem>>, vector<16xf32>,
        tpu.vector_store %arg10[%parallel_loop3A_239, %parallel_loop3A_240], %parallel_loop3A_238 {strides = array<i32>} : memref<64x128xf32, #tpu.memory_space<vmem>>, vector<16xf32>,
        %parallel_loop3A_242 = arith.index_cast %rem3A_152 : i32 to index
        %parallel_loop3A_243 = arith.index_cast %parallel_loop3A_234 : i32 to index
        %parallel_loop3A_244 = arith.constant 16 : index
        %parallel_loop3A_245 = tpu.vector_load %arg7[%parallel_loop3A_242, %parallel_loop3A_243, %parallel_loop3A_244] {strides = array<i32>} : memref<6x64x128xf32, #tpu.memory_space<vmem>>, vector<16xf32>,
        %parallel_loop3A_246 = arith.index_cast %parallel_loop3A_234 : i32 to index
        %parallel_loop3A_247 = arith.constant 16 : index
        %parallel_loop3A_248 = tpu.vector_load %arg10[%parallel_loop3A_246, %parallel_loop3A_247] {strides = array<i32>} : memref<64x128xf32, #tpu.memory_space<vmem>>, vector<16xf32>,
        tpu.vector_store %arg10[%parallel_loop3A_246, %parallel_loop3A_247], %parallel_loop3A_245 {strides = array<i32>} : memref<64x128xf32, #tpu.memory_space<vmem>>, vector<16xf32>,
        %parallel_loop3A_249 = arith.index_cast %rem3A_152 : i32 to index
        %parallel_loop3A_250 = arith.index_cast %parallel_loop3A_234 : i32 to index
        %parallel_loop3A_251 = arith.constant 32 : index
        %parallel_loop3A_252 = tpu.vector_load %arg7[%parallel_loop3A_249, %parallel_loop3A_250, %parallel_loop3A_251] {strides = array<i32>} : memref<6x64x128xf32, #tpu.memory_space<vmem>>, vector<16xf32>,
        %parallel_loop3A_253 = arith.index_cast %parallel_loop3A_234 : i32 to index
        %parallel_loop3A_254 = arith.constant 32 : index
        %parallel_loop3A_255 = tpu.vector_load %arg10[%parallel_loop3A_253, %parallel_loop3A_254] {strides = array<i32>} : memref<64x128xf32, #tpu.memory_space<vmem>>, vector<16xf32>,
        tpu.vector_store %arg10[%parallel_loop3A_253, %parallel_loop3A_254], %parallel_loop3A_252 {strides = array<i32>} : memref<64x128xf32, #tpu.memory_space<vmem>>, vector<16xf32>,
        %parallel_loop3A_256 = arith.index_cast %rem3A_152 : i32 to index
        %parallel_loop3A_257 = arith.index_cast %parallel_loop3A_234 : i32 to index
        %parallel_loop3A_258 = arith.constant 48 : index
        %parallel_loop3A_259 = tpu.vector_load %arg7[%parallel_loop3A_256, %parallel_loop3A_257, %parallel_loop3A_258] {strides = array<i32>} : memref<6x64x128xf32, #tpu.memory_space<vmem>>, vector<16xf32>,
        %parallel_loop3A_260 = arith.index_cast %parallel_loop3A_234 : i32 to index
        %parallel_loop3A_261 = arith.constant 48 : index
        %parallel_loop3A_262 = tpu.vector_load %arg10[%parallel_loop3A_260, %parallel_loop3A_261] {strides = array<i32>} : memref<64x128xf32, #tpu.memory_space<vmem>>, vector<16xf32>,
        tpu.vector_store %arg10[%parallel_loop3A_260, %parallel_loop3A_261], %parallel_loop3A_259 {strides = array<i32>} : memref<64x128xf32, #tpu.memory_space<vmem>>, vector<16xf32>,
        %parallel_loop3A_263 = arith.index_cast %rem3A_152 : i32 to index
        %parallel_loop3A_264 = arith.index_cast %parallel_loop3A_234 : i32 to index
        %parallel_loop3A_265 = arith.constant 64 : index
        %parallel_loop3A_266 = tpu.vector_load %arg7[%parallel_loop3A_263, %parallel_loop3A_264, %parallel_loop3A_265] {strides = array<i32>} : memref<6x64x128xf32, #tpu.memory_space<vmem>>, vector<16xf32>,
        %parallel_loop3A_267 = arith.index_cast %parallel_loop3A_234 : i32 to index
        %parallel_loop3A_268 = arith.constant 64 : index
        %parallel_loop3A_269 = tpu.vector_load %arg10[%parallel_loop3A_267, %parallel_loop3A_268] {strides = array<i32>} : memref<64x128xf32, #tpu.memory_space<vmem>>, vector<16xf32>,
        tpu.vector_store %arg10[%parallel_loop3A_267, %parallel_loop3A_268], %parallel_loop3A_266 {strides = array<i32>} : memref<64x128xf32, #tpu.memory_space<vmem>>, vector<16xf32>,
        %parallel_loop3A_270 = arith.index_cast %rem3A_152 : i32 to index
        %parallel_loop3A_271 = arith.index_cast %parallel_loop3A_234 : i32 to index
        %parallel_loop3A_272 = arith.constant 80 : index
        %parallel_loop3A_273 = tpu.vector_load %arg7[%parallel_loop3A_270, %parallel_loop3A_271, %parallel_loop3A_272] {strides = array<i32>} : memref<6x64x128xf32, #tpu.memory_space<vmem>>, vector<16xf32>,
        %parallel_loop3A_274 = arith.index_cast %parallel_loop3A_234 : i32 to index
        %parallel_loop3A_275 = arith.constant 80 : index
        %parallel_loop3A_276 = tpu.vector_load %arg10[%parallel_loop3A_274, %parallel_loop3A_275] {strides = array<i32>} : memref<64x128xf32, #tpu.memory_space<vmem>>, vector<16xf32>,
        tpu.vector_store %arg10[%parallel_loop3A_274, %parallel_loop3A_275], %parallel_loop3A_273 {strides = array<i32>} : memref<64x128xf32, #tpu.memory_space<vmem>>, vector<16xf32>,
        %parallel_loop3A_277 = arith.index_cast %rem3A_152 : i32 to index
        %parallel_loop3A_278 = arith.index_cast %parallel_loop3A_234 : i32 to index
        %parallel_loop3A_279 = arith.constant 96 : index
        %parallel_loop3A_280 = tpu.vector_load %arg7[%parallel_loop3A_277, %parallel_loop3A_278, %parallel_loop3A_279] {strides = array<i32>} : memref<6x64x128xf32, #tpu.memory_space<vmem>>, vector<16xf32>,
        %parallel_loop3A_281 = arith.index_cast %parallel_loop3A_234 : i32 to index
        %parallel_loop3A_282 = arith.constant 96 : index
        %parallel_loop3A_283 = tpu.vector_load %arg10[%parallel_loop3A_281, %parallel_loop3A_282] {strides = array<i32>} : memref<64x128xf32, #tpu.memory_space<vmem>>, vector<16xf32>,
        tpu.vector_store %arg10[%parallel_loop3A_281, %parallel_loop3A_282], %parallel_loop3A_280 {strides = array<i32>} : memref<64x128xf32, #tpu.memory_space<vmem>>, vector<16xf32>,
        %parallel_loop3A_284 = arith.index_cast %rem3A_152 : i32 to index
        %parallel_loop3A_285 = arith.index_cast %parallel_loop3A_234 : i32 to index
        %parallel_loop3A_286 = arith.constant 112 : index
        %parallel_loop3A_287 = tpu.vector_load %arg7[%parallel_loop3A_284, %parallel_loop3A_285, %parallel_loop3A_286] {strides = array<i32>} : memref<6x64x128xf32, #tpu.memory_space<vmem>>, vector<16xf32>,
        %parallel_loop3A_288 = arith.index_cast %parallel_loop3A_234 : i32 to index
        %parallel_loop3A_289 = arith.constant 112 : index
        %parallel_loop3A_290 = tpu.vector_load %arg10[%parallel_loop3A_288, %parallel_loop3A_289] {strides = array<i32>} : memref<64x128xf32, #tpu.memory_space<vmem>>, vector<16xf32>,
        tpu.vector_store %arg10[%parallel_loop3A_288, %parallel_loop3A_289], %parallel_loop3A_287 {strides = array<i32>} : memref<64x128xf32, #tpu.memory_space<vmem>>, vector<16xf32>,
      } {sc.loop_unroll_factor = 2 : i64, sc.parallel_access}
      %parallel_loop3A_160 = arith.constant 0 : i32
      %parallel_loop3A_161 = arith.constant 64 : i32
      %parallel_loop3A_162 = arith.constant 1 : i32
      scf.for %parallel_loop3A_234 = %parallel_loop3A_160 to %parallel_loop3A_161 step %parallel_loop3A_162  : i32 {
        %parallel_loop3A_235 = vector.broadcast %parallel_loop3A_234 : i32 to vector<16xi32>
        %parallel_loop3A_236 = arith.constant 0 : i32
        %parallel_loop3A_237 = vector.broadcast %parallel_loop3A_236 : i32 to vector<16xi32>
        %parallel_loop3A_238 = arith.addi %iota3A, %parallel_loop3A_237 : vector<16xi32>
        %parallel_loop3A_239 = tpu.vector_load_idx %arg8[%parallel_loop3A_238, %parallel_loop3A_235] : memref<128x128xf32, #tpu.memory_space<vmem>>[vector<16xi32>, vector<16xi32>], vector<16xf32>,
        %parallel_loop3A_240 = arith.index_cast %parallel_loop3A_234 : i32 to index
        %parallel_loop3A_241 = arith.constant 0 : index
        %parallel_loop3A_242 = tpu.vector_load %arg10[%parallel_loop3A_240, %parallel_loop3A_241] {strides = array<i32>} : memref<64x128xf32, #tpu.memory_space<vmem>>, vector<16xf32>,
        tpu.vector_store %arg10[%parallel_loop3A_240, %parallel_loop3A_241], %parallel_loop3A_239 {add = true, strides = array<i32>} : memref<64x128xf32, #tpu.memory_space<vmem>>, vector<16xf32>,
        %parallel_loop3A_243 = arith.constant 16 : i32
        %parallel_loop3A_244 = vector.broadcast %parallel_loop3A_243 : i32 to vector<16xi32>
        %parallel_loop3A_245 = arith.addi %iota3A, %parallel_loop3A_244 : vector<16xi32>
        %parallel_loop3A_246 = tpu.vector_load_idx %arg8[%parallel_loop3A_245, %parallel_loop3A_235] : memref<128x128xf32, #tpu.memory_space<vmem>>[vector<16xi32>, vector<16xi32>], vector<16xf32>,
        %parallel_loop3A_247 = arith.index_cast %parallel_loop3A_234 : i32 to index
        %parallel_loop3A_248 = arith.constant 16 : index
        %parallel_loop3A_249 = tpu.vector_load %arg10[%parallel_loop3A_247, %parallel_loop3A_248] {strides = array<i32>} : memref<64x128xf32, #tpu.memory_space<vmem>>, vector<16xf32>,
        tpu.vector_store %arg10[%parallel_loop3A_247, %parallel_loop3A_248], %parallel_loop3A_246 {add = true, strides = array<i32>} : memref<64x128xf32, #tpu.memory_space<vmem>>, vector<16xf32>,
        %parallel_loop3A_250 = arith.constant 32 : i32
        %parallel_loop3A_251 = vector.broadcast %parallel_loop3A_250 : i32 to vector<16xi32>
        %parallel_loop3A_252 = arith.addi %iota3A, %parallel_loop3A_251 : vector<16xi32>
        %parallel_loop3A_253 = tpu.vector_load_idx %arg8[%parallel_loop3A_252, %parallel_loop3A_235] : memref<128x128xf32, #tpu.memory_space<vmem>>[vector<16xi32>, vector<16xi32>], vector<16xf32>,
        %parallel_loop3A_254 = arith.index_cast %parallel_loop3A_234 : i32 to index
        %parallel_loop3A_255 = arith.constant 32 : index
        %parallel_loop3A_256 = tpu.vector_load %arg10[%parallel_loop3A_254, %parallel_loop3A_255] {strides = array<i32>} : memref<64x128xf32, #tpu.memory_space<vmem>>, vector<16xf32>,
        tpu.vector_store %arg10[%parallel_loop3A_254, %parallel_loop3A_255], %parallel_loop3A_253 {add = true, strides = array<i32>} : memref<64x128xf32, #tpu.memory_space<vmem>>, vector<16xf32>,
        %parallel_loop3A_257 = arith.constant 48 : i32
        %parallel_loop3A_258 = vector.broadcast %parallel_loop3A_257 : i32 to vector<16xi32>
        %parallel_loop3A_259 = arith.addi %iota3A, %parallel_loop3A_258 : vector<16xi32>
        %parallel_loop3A_260 = tpu.vector_load_idx %arg8[%parallel_loop3A_259, %parallel_loop3A_235] : memref<128x128xf32, #tpu.memory_space<vmem>>[vector<16xi32>, vector<16xi32>], vector<16xf32>,
        %parallel_loop3A_261 = arith.index_cast %parallel_loop3A_234 : i32 to index
        %parallel_loop3A_262 = arith.constant 48 : index
        %parallel_loop3A_263 = tpu.vector_load %arg10[%parallel_loop3A_261, %parallel_loop3A_262] {strides = array<i32>} : memref<64x128xf32, #tpu.memory_space<vmem>>, vector<16xf32>,
        tpu.vector_store %arg10[%parallel_loop3A_261, %parallel_loop3A_262], %parallel_loop3A_260 {add = true, strides = array<i32>} : memref<64x128xf32, #tpu.memory_space<vmem>>, vector<16xf32>,
        %parallel_loop3A_264 = arith.constant 64 : i32
        %parallel_loop3A_265 = vector.broadcast %parallel_loop3A_264 : i32 to vector<16xi32>
        %parallel_loop3A_266 = arith.addi %iota3A, %parallel_loop3A_265 : vector<16xi32>
        %parallel_loop3A_267 = tpu.vector_load_idx %arg8[%parallel_loop3A_266, %parallel_loop3A_235] : memref<128x128xf32, #tpu.memory_space<vmem>>[vector<16xi32>, vector<16xi32>], vector<16xf32>,
        %parallel_loop3A_268 = arith.index_cast %parallel_loop3A_234 : i32 to index
        %parallel_loop3A_269 = arith.constant 64 : index
        %parallel_loop3A_270 = tpu.vector_load %arg10[%parallel_loop3A_268, %parallel_loop3A_269] {strides = array<i32>} : memref<64x128xf32, #tpu.memory_space<vmem>>, vector<16xf32>,
        tpu.vector_store %arg10[%parallel_loop3A_268, %parallel_loop3A_269], %parallel_loop3A_267 {add = true, strides = array<i32>} : memref<64x128xf32, #tpu.memory_space<vmem>>, vector<16xf32>,
        %parallel_loop3A_271 = arith.constant 80 : i32
        %parallel_loop3A_272 = vector.broadcast %parallel_loop3A_271 : i32 to vector<16xi32>
        %parallel_loop3A_273 = arith.addi %iota3A, %parallel_loop3A_272 : vector<16xi32>
        %parallel_loop3A_274 = tpu.vector_load_idx %arg8[%parallel_loop3A_273, %parallel_loop3A_235] : memref<128x128xf32, #tpu.memory_space<vmem>>[vector<16xi32>, vector<16xi32>], vector<16xf32>,
        %parallel_loop3A_275 = arith.index_cast %parallel_loop3A_234 : i32 to index
        %parallel_loop3A_276 = arith.constant 80 : index
        %parallel_loop3A_277 = tpu.vector_load %arg10[%parallel_loop3A_275, %parallel_loop3A_276] {strides = array<i32>} : memref<64x128xf32, #tpu.memory_space<vmem>>, vector<16xf32>,
        tpu.vector_store %arg10[%parallel_loop3A_275, %parallel_loop3A_276], %parallel_loop3A_274 {add = true, strides = array<i32>} : memref<64x128xf32, #tpu.memory_space<vmem>>, vector<16xf32>,
        %parallel_loop3A_278 = arith.constant 96 : i32
        %parallel_loop3A_279 = vector.broadcast %parallel_loop3A_278 : i32 to vector<16xi32>
        %parallel_loop3A_280 = arith.addi %iota3A, %parallel_loop3A_279 : vector<16xi32>
        %parallel_loop3A_281 = tpu.vector_load_idx %arg8[%parallel_loop3A_280, %parallel_loop3A_235] : memref<128x128xf32, #tpu.memory_space<vmem>>[vector<16xi32>, vector<16xi32>], vector<16xf32>,
        %parallel_loop3A_282 = arith.index_cast %parallel_loop3A_234 : i32 to index
        %parallel_loop3A_283 = arith.constant 96 : index
        %parallel_loop3A_284 = tpu.vector_load %arg10[%parallel_loop3A_282, %parallel_loop3A_283] {strides = array<i32>} : memref<64x128xf32, #tpu.memory_space<vmem>>, vector<16xf32>,
        tpu.vector_store %arg10[%parallel_loop3A_282, %parallel_loop3A_283], %parallel_loop3A_281 {add = true, strides = array<i32>} : memref<64x128xf32, #tpu.memory_space<vmem>>, vector<16xf32>,
        %parallel_loop3A_285 = arith.constant 112 : i32
        %parallel_loop3A_286 = vector.broadcast %parallel_loop3A_285 : i32 to vector<16xi32>
        %parallel_loop3A_287 = arith.addi %iota3A, %parallel_loop3A_286 : vector<16xi32>
        %parallel_loop3A_288 = tpu.vector_load_idx %arg8[%parallel_loop3A_287, %parallel_loop3A_235] : memref<128x128xf32, #tpu.memory_space<vmem>>[vector<16xi32>, vector<16xi32>], vector<16xf32>,
        %parallel_loop3A_289 = arith.index_cast %parallel_loop3A_234 : i32 to index
        %parallel_loop3A_290 = arith.constant 112 : index
        %parallel_loop3A_291 = tpu.vector_load %arg10[%parallel_loop3A_289, %parallel_loop3A_290] {strides = array<i32>} : memref<64x128xf32, #tpu.memory_space<vmem>>, vector<16xf32>,
        tpu.vector_store %arg10[%parallel_loop3A_289, %parallel_loop3A_290], %parallel_loop3A_288 {add = true, strides = array<i32>} : memref<64x128xf32, #tpu.memory_space<vmem>>, vector<16xf32>,
      } {sc.loop_unroll_factor = 4 : i64, sc.parallel_access}
      %dma_start3A_163 = arith.constant 0 : i32
      %dma_start3A_164 = tpu.memref_slice %arg5[%select_n3A_150, %dma_start3A_163, %mul3A_154] : memref<1024x64x768xf32, #tpu.memory_space<hbm>> -> memref<1x64x128xf32, #tpu.memory_space<hbm>>
      %dma_start3A_165 = tpu.memref_squeeze %dma_start3A_164 : memref<1x64x128xf32, #tpu.memory_space<hbm>> -> memref<64x128xf32, #tpu.memory_space<hbm>>
      %dma_start3A_166 = arith.constant 0 : i32
      %dma_start3A_167 = tpu.memref_slice %arg5[%select_n3A_150, %dma_start3A_166, %mul3A_154] : memref<1024x64x768xf32, #tpu.memory_space<hbm>> -> memref<1x64x128xf32, #tpu.memory_space<hbm>>
      %dma_start3A_168 = tpu.memref_squeeze %dma_start3A_167 : memref<1x64x128xf32, #tpu.memory_space<hbm>> -> memref<64x128xf32, #tpu.memory_space<hbm>>
      tpu.enqueue_dma source(%arg10 : memref<64x128xf32, #tpu.memory_space<vmem>>) target(%dma_start3A_168 : memref<64x128xf32, #tpu.memory_space<hbm>>) target_semaphore(%arg14 : memref<!tpu.dma_semaphore, #tpu.memory_space<semaphore_mem>>)
      %add3A_169 = arith.constant 1 : i32
      %add3A_170 = arith.addi %scan3A_105, %add3A_169 : i32
      %lt3A_171 = arith.constant 96 : i32
      %lt3A_172 = arith.cmpi slt, %add3A_170, %lt3A_171 : i32
      %convert_element_type3A_173 = arith.extui %lt3A_172 : i1 to i32
      %cond3A_174 = arith.constant 0 : i32
      %cond3A_175 = arith.cmpi ne, %convert_element_type3A_173, %cond3A_174 : i32
      scf.if %cond3A_175 {
        %mul3A_234 = arith.constant 2 : i32
        %mul3A_235 = arith.muli %mul3A_234, %scan3A_105 : i32
        %add3A_236 = arith.constant 2 : i32
        %add3A_237 = arith.addi %mul3A_235, %add3A_236 : i32
        %mul3A_238 = arith.constant 128 : i32
        %mul3A_239 = arith.muli %add3A_237, %mul3A_238 : i32
        %dma_start3A_240 = tpu.memref_slice %arg6[%mul3A_239] : memref<24576xi32, #tpu.memory_space<vmem>> -> memref<128xi32, #tpu.memory_space<vmem>>
        %dma_start3A_241 = arith.constant 0 : i32
        %dma_start3A_242 = arith.constant 0 : i32
        %dma_start3A_243 = tpu.memref_slice %arg3[%dma_start3A_241, %dma_start3A_242] : memref<1000000x128xf32, #tpu.memory_space<hbm>> -> memref<1000000x128xf32, #tpu.memory_space<hbm>>
        tpu.enqueue_indirect_dma source(%dma_start3A_243 : memref<1000000x128xf32, #tpu.memory_space<hbm>>) target(%arg8 : memref<128x128xf32, #tpu.memory_space<vmem>>) offsets(%dma_start3A_240 : memref<128xi32, #tpu.memory_space<vmem>>) semaphore(%arg12 : memref<!tpu.dma_semaphore, #tpu.memory_space<semaphore_mem>>)
      } else {
      }
      %mul3A_176 = arith.constant 2 : i32
      %mul3A_177 = arith.muli %mul3A_176, %scan3A_105 : i32
      %add3A_178 = arith.constant 1 : i32
      %add3A_179 = arith.addi %mul3A_177, %add3A_178 : i32
      %mul3A_180 = arith.constant 128 : i32
      %mul3A_181 = arith.muli %add3A_179, %mul3A_180 : i32
      %dma_wait3A_182 = tpu.memref_slice %arg6[%mul3A_181] : memref<24576xi32, #tpu.memory_space<vmem>> -> memref<128xi32, #tpu.memory_space<vmem>>
      %dma_wait3A_183 = arith.constant 0 : i32
      %dma_wait3A_184 = arith.constant 0 : i32
      %dma_wait3A_185 = tpu.memref_slice %arg3[%dma_wait3A_183, %dma_wait3A_184] : memref<1000000x128xf32, #tpu.memory_space<hbm>> -> memref<1000000x128xf32, #tpu.memory_space<hbm>>
      tpu.wait_indirect_dma semaphore(%arg13 : memref<!tpu.dma_semaphore, #tpu.memory_space<semaphore_mem>>) src(%dma_wait3A_185 : memref<1000000x128xf32, #tpu.memory_space<hbm>>) dst(%arg9 : memref<128x128xf32, #tpu.memory_space<vmem>>)
      %add3A_186 = arith.constant 1 : i32
      %add3A_187 = arith.addi %add3A_108, %add3A_186 : i32
      %jit3A_188 = arith.constant 6 : i32
      %div3A_189 = arith.divsi %add3A_187, %jit3A_188 : i32
      %sign3A_190 = arith.constant 0 : i32
      %sign3A_191 = arith.cmpi sgt, %add3A_187, %sign3A_190 : i32
      %sign3A_192 = arith.extui %sign3A_191 : i1 to i32
      %sign3A_193 = arith.constant 0 : i32
      %sign3A_194 = arith.cmpi slt, %add3A_187, %sign3A_193 : i32
      %sign3A_195 = arith.extui %sign3A_194 : i1 to i32
      %sign3A_196 = arith.subi %sign3A_192, %sign3A_195 : i32
      %sign3A_197 = arith.constant 0 : i32
      %sign3A_198 = arith.cmpi sgt, %jit3A_188, %sign3A_197 : i32
      %sign3A_199 = arith.extui %sign3A_198 : i1 to i32
      %sign3A_200 = arith.constant 0 : i32
      %sign3A_201 = arith.cmpi slt, %jit3A_188, %sign3A_200 : i32
      %sign3A_202 = arith.extui %sign3A_201 : i1 to i32
      %sign3A_203 = arith.subi %sign3A_199, %sign3A_202 : i32
      %ne3A_204 = arith.cmpi ne, %sign3A_196, %sign3A_203 : i32
      %rem3A_205 = arith.remsi %add3A_187, %jit3A_188 : i32
      %ne3A_206 = arith.constant 0 : i32
      %ne3A_207 = arith.cmpi ne, %rem3A_205, %ne3A_206 : i32
      %and3A_208 = arith.andi %ne3A_204, %ne3A_207 : i1
      %sub3A_209 = arith.constant 1 : i32
      %sub3A_210 = arith.subi %div3A_189, %sub3A_209 : i32
      %select_n3A_211 = arith.select %and3A_208, %sub3A_210, %div3A_189 : i32
      %rem3A_212 = arith.constant 6 : i32
      %rem3A_213 = arith.remsi %add3A_187, %rem3A_212 : i32
      %mul3A_214 = arith.constant 128 : i32
      %mul3A_215 = arith.muli %rem3A_213, %mul3A_214 : i32
      %add3A_216 = arith.constant 2 : i32
      %add3A_217 = arith.addi %mul3A_2, %add3A_216 : i32
      %ge3A_218 = arith.cmpi sge, %add3A_187, %add3A_217 : i32
      %convert_element_type3A_219 = arith.extui %ge3A_218 : i1 to i32
      %cond3A_220 = arith.constant 0 : i32
      %cond3A_221 = arith.cmpi ne, %convert_element_type3A_219, %cond3A_220 : i32
      scf.if %cond3A_221 {
        %dma_wait3A_234 = arith.constant 0 : i32
        %dma_wait3A_235 = tpu.memref_slice %arg5[%select_n3A_211, %dma_wait3A_234, %mul3A_215] : memref<1024x64x768xf32, #tpu.memory_space<hbm>> -> memref<1x64x128xf32, #tpu.memory_space<hbm>>
        %dma_wait3A_236 = tpu.memref_squeeze %dma_wait3A_235 : memref<1x64x128xf32, #tpu.memory_space<hbm>> -> memref<64x128xf32, #tpu.memory_space<hbm>>
        %dma_wait3A_237 = arith.constant 0 : i32
        %dma_wait3A_238 = tpu.memref_slice %arg5[%select_n3A_211, %dma_wait3A_237, %mul3A_215] : memref<1024x64x768xf32, #tpu.memory_space<hbm>> -> memref<1x64x128xf32, #tpu.memory_space<hbm>>
        %dma_wait3A_239 = tpu.memref_squeeze %dma_wait3A_238 : memref<1x64x128xf32, #tpu.memory_space<hbm>> -> memref<64x128xf32, #tpu.memory_space<hbm>>
        tpu.wait_dma2 semaphore(%arg15 : memref<!tpu.dma_semaphore, #tpu.memory_space<semaphore_mem>>) src(%arg11 : memref<64x128xf32, #tpu.memory_space<vmem>>) dst(%dma_wait3A_239 : memref<64x128xf32, #tpu.memory_space<hbm>>)
      } else {
      }
      %parallel_loop3A_222 = arith.constant 0 : i32
      %parallel_loop3A_223 = arith.constant 64 : i32
      %parallel_loop3A_224 = arith.constant 1 : i32
      scf.for %parallel_loop3A_234 = %parallel_loop3A_222 to %parallel_loop3A_223 step %parallel_loop3A_224  : i32 {
        %parallel_loop3A_235 = arith.index_cast %rem3A_213 : i32 to index
        %parallel_loop3A_236 = arith.index_cast %parallel_loop3A_234 : i32 to index
        %parallel_loop3A_237 = arith.constant 0 : index
        %parallel_loop3A_238 = tpu.vector_load %arg7[%parallel_loop3A_235, %parallel_loop3A_236, %parallel_loop3A_237] {strides = array<i32>} : memref<6x64x128xf32, #tpu.memory_space<vmem>>, vector<16xf32>,
        %parallel_loop3A_239 = arith.index_cast %parallel_loop3A_234 : i32 to index
        %parallel_loop3A_240 = arith.constant 0 : index
        %parallel_loop3A_241 = tpu.vector_load %arg11[%parallel_loop3A_239, %parallel_loop3A_240] {strides = array<i32>} : memref<64x128xf32, #tpu.memory_space<vmem>>, vector<16xf32>,
        tpu.vector_store %arg11[%parallel_loop3A_239, %parallel_loop3A_240], %parallel_loop3A_238 {strides = array<i32>} : memref<64x128xf32, #tpu.memory_space<vmem>>, vector<16xf32>,
        %parallel_loop3A_242 = arith.index_cast %rem3A_213 : i32 to index
        %parallel_loop3A_243 = arith.index_cast %parallel_loop3A_234 : i32 to index
        %parallel_loop3A_244 = arith.constant 16 : index
        %parallel_loop3A_245 = tpu.vector_load %arg7[%parallel_loop3A_242, %parallel_loop3A_243, %parallel_loop3A_244] {strides = array<i32>} : memref<6x64x128xf32, #tpu.memory_space<vmem>>, vector<16xf32>,
        %parallel_loop3A_246 = arith.index_cast %parallel_loop3A_234 : i32 to index
        %parallel_loop3A_247 = arith.constant 16 : index
        %parallel_loop3A_248 = tpu.vector_load %arg11[%parallel_loop3A_246, %parallel_loop3A_247] {strides = array<i32>} : memref<64x128xf32, #tpu.memory_space<vmem>>, vector<16xf32>,
        tpu.vector_store %arg11[%parallel_loop3A_246, %parallel_loop3A_247], %parallel_loop3A_245 {strides = array<i32>} : memref<64x128xf32, #tpu.memory_space<vmem>>, vector<16xf32>,
        %parallel_loop3A_249 = arith.index_cast %rem3A_213 : i32 to index
        %parallel_loop3A_250 = arith.index_cast %parallel_loop3A_234 : i32 to index
        %parallel_loop3A_251 = arith.constant 32 : index
        %parallel_loop3A_252 = tpu.vector_load %arg7[%parallel_loop3A_249, %parallel_loop3A_250, %parallel_loop3A_251] {strides = array<i32>} : memref<6x64x128xf32, #tpu.memory_space<vmem>>, vector<16xf32>,
        %parallel_loop3A_253 = arith.index_cast %parallel_loop3A_234 : i32 to index
        %parallel_loop3A_254 = arith.constant 32 : index
        %parallel_loop3A_255 = tpu.vector_load %arg11[%parallel_loop3A_253, %parallel_loop3A_254] {strides = array<i32>} : memref<64x128xf32, #tpu.memory_space<vmem>>, vector<16xf32>,
        tpu.vector_store %arg11[%parallel_loop3A_253, %parallel_loop3A_254], %parallel_loop3A_252 {strides = array<i32>} : memref<64x128xf32, #tpu.memory_space<vmem>>, vector<16xf32>,
        %parallel_loop3A_256 = arith.index_cast %rem3A_213 : i32 to index
        %parallel_loop3A_257 = arith.index_cast %parallel_loop3A_234 : i32 to index
        %parallel_loop3A_258 = arith.constant 48 : index
        %parallel_loop3A_259 = tpu.vector_load %arg7[%parallel_loop3A_256, %parallel_loop3A_257, %parallel_loop3A_258] {strides = array<i32>} : memref<6x64x128xf32, #tpu.memory_space<vmem>>, vector<16xf32>,
        %parallel_loop3A_260 = arith.index_cast %parallel_loop3A_234 : i32 to index
        %parallel_loop3A_261 = arith.constant 48 : index
        %parallel_loop3A_262 = tpu.vector_load %arg11[%parallel_loop3A_260, %parallel_loop3A_261] {strides = array<i32>} : memref<64x128xf32, #tpu.memory_space<vmem>>, vector<16xf32>,
        tpu.vector_store %arg11[%parallel_loop3A_260, %parallel_loop3A_261], %parallel_loop3A_259 {strides = array<i32>} : memref<64x128xf32, #tpu.memory_space<vmem>>, vector<16xf32>,
        %parallel_loop3A_263 = arith.index_cast %rem3A_213 : i32 to index
        %parallel_loop3A_264 = arith.index_cast %parallel_loop3A_234 : i32 to index
        %parallel_loop3A_265 = arith.constant 64 : index
        %parallel_loop3A_266 = tpu.vector_load %arg7[%parallel_loop3A_263, %parallel_loop3A_264, %parallel_loop3A_265] {strides = array<i32>} : memref<6x64x128xf32, #tpu.memory_space<vmem>>, vector<16xf32>,
        %parallel_loop3A_267 = arith.index_cast %parallel_loop3A_234 : i32 to index
        %parallel_loop3A_268 = arith.constant 64 : index
        %parallel_loop3A_269 = tpu.vector_load %arg11[%parallel_loop3A_267, %parallel_loop3A_268] {strides = array<i32>} : memref<64x128xf32, #tpu.memory_space<vmem>>, vector<16xf32>,
        tpu.vector_store %arg11[%parallel_loop3A_267, %parallel_loop3A_268], %parallel_loop3A_266 {strides = array<i32>} : memref<64x128xf32, #tpu.memory_space<vmem>>, vector<16xf32>,
        %parallel_loop3A_270 = arith.index_cast %rem3A_213 : i32 to index
        %parallel_loop3A_271 = arith.index_cast %parallel_loop3A_234 : i32 to index
        %parallel_loop3A_272 = arith.constant 80 : index
        %parallel_loop3A_273 = tpu.vector_load %arg7[%parallel_loop3A_270, %parallel_loop3A_271, %parallel_loop3A_272] {strides = array<i32>} : memref<6x64x128xf32, #tpu.memory_space<vmem>>, vector<16xf32>,
        %parallel_loop3A_274 = arith.index_cast %parallel_loop3A_234 : i32 to index
        %parallel_loop3A_275 = arith.constant 80 : index
        %parallel_loop3A_276 = tpu.vector_load %arg11[%parallel_loop3A_274, %parallel_loop3A_275] {strides = array<i32>} : memref<64x128xf32, #tpu.memory_space<vmem>>, vector<16xf32>,
        tpu.vector_store %arg11[%parallel_loop3A_274, %parallel_loop3A_275], %parallel_loop3A_273 {strides = array<i32>} : memref<64x128xf32, #tpu.memory_space<vmem>>, vector<16xf32>,
        %parallel_loop3A_277 = arith.index_cast %rem3A_213 : i32 to index
        %parallel_loop3A_278 = arith.index_cast %parallel_loop3A_234 : i32 to index
        %parallel_loop3A_279 = arith.constant 96 : index
        %parallel_loop3A_280 = tpu.vector_load %arg7[%parallel_loop3A_277, %parallel_loop3A_278, %parallel_loop3A_279] {strides = array<i32>} : memref<6x64x128xf32, #tpu.memory_space<vmem>>, vector<16xf32>,
        %parallel_loop3A_281 = arith.index_cast %parallel_loop3A_234 : i32 to index
        %parallel_loop3A_282 = arith.constant 96 : index
        %parallel_loop3A_283 = tpu.vector_load %arg11[%parallel_loop3A_281, %parallel_loop3A_282] {strides = array<i32>} : memref<64x128xf32, #tpu.memory_space<vmem>>, vector<16xf32>,
        tpu.vector_store %arg11[%parallel_loop3A_281, %parallel_loop3A_282], %parallel_loop3A_280 {strides = array<i32>} : memref<64x128xf32, #tpu.memory_space<vmem>>, vector<16xf32>,
        %parallel_loop3A_284 = arith.index_cast %rem3A_213 : i32 to index
        %parallel_loop3A_285 = arith.index_cast %parallel_loop3A_234 : i32 to index
        %parallel_loop3A_286 = arith.constant 112 : index
        %parallel_loop3A_287 = tpu.vector_load %arg7[%parallel_loop3A_284, %parallel_loop3A_285, %parallel_loop3A_286] {strides = array<i32>} : memref<6x64x128xf32, #tpu.memory_space<vmem>>, vector<16xf32>,
        %parallel_loop3A_288 = arith.index_cast %parallel_loop3A_234 : i32 to index
        %parallel_loop3A_289 = arith.constant 112 : index
        %parallel_loop3A_290 = tpu.vector_load %arg11[%parallel_loop3A_288, %parallel_loop3A_289] {strides = array<i32>} : memref<64x128xf32, #tpu.memory_space<vmem>>, vector<16xf32>,
        tpu.vector_store %arg11[%parallel_loop3A_288, %parallel_loop3A_289], %parallel_loop3A_287 {strides = array<i32>} : memref<64x128xf32, #tpu.memory_space<vmem>>, vector<16xf32>,
      } {sc.loop_unroll_factor = 2 : i64, sc.parallel_access}
      %parallel_loop3A_225 = arith.constant 0 : i32
      %parallel_loop3A_226 = arith.constant 64 : i32
      %parallel_loop3A_227 = arith.constant 1 : i32
      scf.for %parallel_loop3A_234 = %parallel_loop3A_225 to %parallel_loop3A_226 step %parallel_loop3A_227  : i32 {
        %parallel_loop3A_235 = vector.broadcast %parallel_loop3A_234 : i32 to vector<16xi32>
        %parallel_loop3A_236 = arith.constant 0 : i32
        %parallel_loop3A_237 = vector.broadcast %parallel_loop3A_236 : i32 to vector<16xi32>
        %parallel_loop3A_238 = arith.addi %iota3A, %parallel_loop3A_237 : vector<16xi32>
        %parallel_loop3A_239 = tpu.vector_load_idx %arg9[%parallel_loop3A_238, %parallel_loop3A_235] : memref<128x128xf32, #tpu.memory_space<vmem>>[vector<16xi32>, vector<16xi32>], vector<16xf32>,
        %parallel_loop3A_240 = arith.index_cast %parallel_loop3A_234 : i32 to index
        %parallel_loop3A_241 = arith.constant 0 : index
        %parallel_loop3A_242 = tpu.vector_load %arg11[%parallel_loop3A_240, %parallel_loop3A_241] {strides = array<i32>} : memref<64x128xf32, #tpu.memory_space<vmem>>, vector<16xf32>,
        tpu.vector_store %arg11[%parallel_loop3A_240, %parallel_loop3A_241], %parallel_loop3A_239 {add = true, strides = array<i32>} : memref<64x128xf32, #tpu.memory_space<vmem>>, vector<16xf32>,
        %parallel_loop3A_243 = arith.constant 16 : i32
        %parallel_loop3A_244 = vector.broadcast %parallel_loop3A_243 : i32 to vector<16xi32>
        %parallel_loop3A_245 = arith.addi %iota3A, %parallel_loop3A_244 : vector<16xi32>
        %parallel_loop3A_246 = tpu.vector_load_idx %arg9[%parallel_loop3A_245, %parallel_loop3A_235] : memref<128x128xf32, #tpu.memory_space<vmem>>[vector<16xi32>, vector<16xi32>], vector<16xf32>,
        %parallel_loop3A_247 = arith.index_cast %parallel_loop3A_234 : i32 to index
        %parallel_loop3A_248 = arith.constant 16 : index
        %parallel_loop3A_249 = tpu.vector_load %arg11[%parallel_loop3A_247, %parallel_loop3A_248] {strides = array<i32>} : memref<64x128xf32, #tpu.memory_space<vmem>>, vector<16xf32>,
        tpu.vector_store %arg11[%parallel_loop3A_247, %parallel_loop3A_248], %parallel_loop3A_246 {add = true, strides = array<i32>} : memref<64x128xf32, #tpu.memory_space<vmem>>, vector<16xf32>,
        %parallel_loop3A_250 = arith.constant 32 : i32
        %parallel_loop3A_251 = vector.broadcast %parallel_loop3A_250 : i32 to vector<16xi32>
        %parallel_loop3A_252 = arith.addi %iota3A, %parallel_loop3A_251 : vector<16xi32>
        %parallel_loop3A_253 = tpu.vector_load_idx %arg9[%parallel_loop3A_252, %parallel_loop3A_235] : memref<128x128xf32, #tpu.memory_space<vmem>>[vector<16xi32>, vector<16xi32>], vector<16xf32>,
        %parallel_loop3A_254 = arith.index_cast %parallel_loop3A_234 : i32 to index
        %parallel_loop3A_255 = arith.constant 32 : index
        %parallel_loop3A_256 = tpu.vector_load %arg11[%parallel_loop3A_254, %parallel_loop3A_255] {strides = array<i32>} : memref<64x128xf32, #tpu.memory_space<vmem>>, vector<16xf32>,
        tpu.vector_store %arg11[%parallel_loop3A_254, %parallel_loop3A_255], %parallel_loop3A_253 {add = true, strides = array<i32>} : memref<64x128xf32, #tpu.memory_space<vmem>>, vector<16xf32>,
        %parallel_loop3A_257 = arith.constant 48 : i32
        %parallel_loop3A_258 = vector.broadcast %parallel_loop3A_257 : i32 to vector<16xi32>
        %parallel_loop3A_259 = arith.addi %iota3A, %parallel_loop3A_258 : vector<16xi32>
        %parallel_loop3A_260 = tpu.vector_load_idx %arg9[%parallel_loop3A_259, %parallel_loop3A_235] : memref<128x128xf32, #tpu.memory_space<vmem>>[vector<16xi32>, vector<16xi32>], vector<16xf32>,
        %parallel_loop3A_261 = arith.index_cast %parallel_loop3A_234 : i32 to index
        %parallel_loop3A_262 = arith.constant 48 : index
        %parallel_loop3A_263 = tpu.vector_load %arg11[%parallel_loop3A_261, %parallel_loop3A_262] {strides = array<i32>} : memref<64x128xf32, #tpu.memory_space<vmem>>, vector<16xf32>,
        tpu.vector_store %arg11[%parallel_loop3A_261, %parallel_loop3A_262], %parallel_loop3A_260 {add = true, strides = array<i32>} : memref<64x128xf32, #tpu.memory_space<vmem>>, vector<16xf32>,
        %parallel_loop3A_264 = arith.constant 64 : i32
        %parallel_loop3A_265 = vector.broadcast %parallel_loop3A_264 : i32 to vector<16xi32>
        %parallel_loop3A_266 = arith.addi %iota3A, %parallel_loop3A_265 : vector<16xi32>
        %parallel_loop3A_267 = tpu.vector_load_idx %arg9[%parallel_loop3A_266, %parallel_loop3A_235] : memref<128x128xf32, #tpu.memory_space<vmem>>[vector<16xi32>, vector<16xi32>], vector<16xf32>,
        %parallel_loop3A_268 = arith.index_cast %parallel_loop3A_234 : i32 to index
        %parallel_loop3A_269 = arith.constant 64 : index
        %parallel_loop3A_270 = tpu.vector_load %arg11[%parallel_loop3A_268, %parallel_loop3A_269] {strides = array<i32>} : memref<64x128xf32, #tpu.memory_space<vmem>>, vector<16xf32>,
        tpu.vector_store %arg11[%parallel_loop3A_268, %parallel_loop3A_269], %parallel_loop3A_267 {add = true, strides = array<i32>} : memref<64x128xf32, #tpu.memory_space<vmem>>, vector<16xf32>,
        %parallel_loop3A_271 = arith.constant 80 : i32
        %parallel_loop3A_272 = vector.broadcast %parallel_loop3A_271 : i32 to vector<16xi32>
        %parallel_loop3A_273 = arith.addi %iota3A, %parallel_loop3A_272 : vector<16xi32>
        %parallel_loop3A_274 = tpu.vector_load_idx %arg9[%parallel_loop3A_273, %parallel_loop3A_235] : memref<128x128xf32, #tpu.memory_space<vmem>>[vector<16xi32>, vector<16xi32>], vector<16xf32>,
        %parallel_loop3A_275 = arith.index_cast %parallel_loop3A_234 : i32 to index
        %parallel_loop3A_276 = arith.constant 80 : index
        %parallel_loop3A_277 = tpu.vector_load %arg11[%parallel_loop3A_275, %parallel_loop3A_276] {strides = array<i32>} : memref<64x128xf32, #tpu.memory_space<vmem>>, vector<16xf32>,
        tpu.vector_store %arg11[%parallel_loop3A_275, %parallel_loop3A_276], %parallel_loop3A_274 {add = true, strides = array<i32>} : memref<64x128xf32, #tpu.memory_space<vmem>>, vector<16xf32>,
        %parallel_loop3A_278 = arith.constant 96 : i32
        %parallel_loop3A_279 = vector.broadcast %parallel_loop3A_278 : i32 to vector<16xi32>
        %parallel_loop3A_280 = arith.addi %iota3A, %parallel_loop3A_279 : vector<16xi32>
        %parallel_loop3A_281 = tpu.vector_load_idx %arg9[%parallel_loop3A_280, %parallel_loop3A_235] : memref<128x128xf32, #tpu.memory_space<vmem>>[vector<16xi32>, vector<16xi32>], vector<16xf32>,
        %parallel_loop3A_282 = arith.index_cast %parallel_loop3A_234 : i32 to index
        %parallel_loop3A_283 = arith.constant 96 : index
        %parallel_loop3A_284 = tpu.vector_load %arg11[%parallel_loop3A_282, %parallel_loop3A_283] {strides = array<i32>} : memref<64x128xf32, #tpu.memory_space<vmem>>, vector<16xf32>,
        tpu.vector_store %arg11[%parallel_loop3A_282, %parallel_loop3A_283], %parallel_loop3A_281 {add = true, strides = array<i32>} : memref<64x128xf32, #tpu.memory_space<vmem>>, vector<16xf32>,
        %parallel_loop3A_285 = arith.constant 112 : i32
        %parallel_loop3A_286 = vector.broadcast %parallel_loop3A_285 : i32 to vector<16xi32>
        %parallel_loop3A_287 = arith.addi %iota3A, %parallel_loop3A_286 : vector<16xi32>
        %parallel_loop3A_288 = tpu.vector_load_idx %arg9[%parallel_loop3A_287, %parallel_loop3A_235] : memref<128x128xf32, #tpu.memory_space<vmem>>[vector<16xi32>, vector<16xi32>], vector<16xf32>,
        %parallel_loop3A_289 = arith.index_cast %parallel_loop3A_234 : i32 to index
        %parallel_loop3A_290 = arith.constant 112 : index
        %parallel_loop3A_291 = tpu.vector_load %arg11[%parallel_loop3A_289, %parallel_loop3A_290] {strides = array<i32>} : memref<64x128xf32, #tpu.memory_space<vmem>>, vector<16xf32>,
        tpu.vector_store %arg11[%parallel_loop3A_289, %parallel_loop3A_290], %parallel_loop3A_288 {add = true, strides = array<i32>} : memref<64x128xf32, #tpu.memory_space<vmem>>, vector<16xf32>,
      } {sc.loop_unroll_factor = 4 : i64, sc.parallel_access}
      %dma_start3A_228 = arith.constant 0 : i32
      %dma_start3A_229 = tpu.memref_slice %arg5[%select_n3A_211, %dma_start3A_228, %mul3A_215] : memref<1024x64x768xf32, #tpu.memory_space<hbm>> -> memref<1x64x128xf32, #tpu.memory_space<hbm>>
      %dma_start3A_230 = tpu.memref_squeeze %dma_start3A_229 : memref<1x64x128xf32, #tpu.memory_space<hbm>> -> memref<64x128xf32, #tpu.memory_space<hbm>>
      %dma_start3A_231 = arith.constant 0 : i32
      %dma_start3A_232 = tpu.memref_slice %arg5[%select_n3A_211, %dma_start3A_231, %mul3A_215] : memref<1024x64x768xf32, #tpu.memory_space<hbm>> -> memref<1x64x128xf32, #tpu.memory_space<hbm>>
      %dma_start3A_233 = tpu.memref_squeeze %dma_start3A_232 : memref<1x64x128xf32, #tpu.memory_space<hbm>> -> memref<64x128xf32, #tpu.memory_space<hbm>>
      tpu.enqueue_dma source(%arg11 : memref<64x128xf32, #tpu.memory_space<vmem>>) target(%dma_start3A_233 : memref<64x128xf32, #tpu.memory_space<hbm>>) target_semaphore(%arg15 : memref<!tpu.dma_semaphore, #tpu.memory_space<semaphore_mem>>)
    }
    %scan3A_13 = arith.constant 96 : i32
    %add3A_14 = arith.constant 192 : i32
    %add3A_15 = arith.addi %mul3A_2, %add3A_14 : i32
    %sub3A = arith.constant 1 : i32
    %sub3A_16 = arith.subi %add3A_15, %sub3A : i32
    %sub3A_17 = arith.constant 1 : i32
    %sub3A_18 = arith.subi %sub3A_16, %sub3A_17 : i32
    %jit3A = arith.constant 6 : i32
    %div3A = arith.divsi %sub3A_18, %jit3A : i32
    %sign3A = arith.constant 0 : i32
    %sign3A_19 = arith.cmpi sgt, %sub3A_18, %sign3A : i32
    %sign3A_20 = arith.extui %sign3A_19 : i1 to i32
    %sign3A_21 = arith.constant 0 : i32
    %sign3A_22 = arith.cmpi slt, %sub3A_18, %sign3A_21 : i32
    %sign3A_23 = arith.extui %sign3A_22 : i1 to i32
    %sign3A_24 = arith.subi %sign3A_20, %sign3A_23 : i32
    %sign3A_25 = arith.constant 0 : i32
    %sign3A_26 = arith.cmpi sgt, %jit3A, %sign3A_25 : i32
    %sign3A_27 = arith.extui %sign3A_26 : i1 to i32
    %sign3A_28 = arith.constant 0 : i32
    %sign3A_29 = arith.cmpi slt, %jit3A, %sign3A_28 : i32
    %sign3A_30 = arith.extui %sign3A_29 : i1 to i32
    %sign3A_31 = arith.subi %sign3A_27, %sign3A_30 : i32
    %ne3A = arith.cmpi ne, %sign3A_24, %sign3A_31 : i32
    %rem3A = arith.remsi %sub3A_18, %jit3A : i32
    %ne3A_32 = arith.constant 0 : i32
    %ne3A_33 = arith.cmpi ne, %rem3A, %ne3A_32 : i32
    %and3A = arith.andi %ne3A, %ne3A_33 : i1
    %sub3A_34 = arith.constant 1 : i32
    %sub3A_35 = arith.subi %div3A, %sub3A_34 : i32
    %select_n3A = arith.select %and3A, %sub3A_35, %div3A : i32
    %jit3A_36 = arith.constant 6 : i32
    %eq3A = arith.constant 0 : i32
    %eq3A_37 = arith.cmpi eq, %jit3A_36, %eq3A : i32
    %jit3A_38 = arith.constant 1 : i32
    %select_n3A_39 = arith.select %eq3A_37, %jit3A_38, %jit3A_36 : i32
    %rem3A_40 = arith.remsi %sub3A_18, %select_n3A_39 : i32
    %ne3A_41 = arith.constant 0 : i32
    %ne3A_42 = arith.cmpi ne, %rem3A_40, %ne3A_41 : i32
    %lt3A = arith.constant 0 : i32
    %lt3A_43 = arith.cmpi slt, %rem3A_40, %lt3A : i32
    %lt3A_44 = arith.constant 0 : i32
    %lt3A_45 = arith.cmpi slt, %select_n3A_39, %lt3A_44 : i32
    %ne3A_46 = arith.xori %lt3A_43, %lt3A_45 : i1
    %and3A_47 = arith.andi %ne3A_46, %ne3A_42 : i1
    %add3A_48 = arith.addi %rem3A_40, %select_n3A_39 : i32
    %select_n3A_49 = arith.select %and3A_47, %add3A_48, %rem3A_40 : i32
    %mul3A_50 = arith.constant 128 : i32
    %mul3A_51 = arith.muli %select_n3A_49, %mul3A_50 : i32
    %dma_wait3A = arith.constant 0 : i32
    %dma_wait3A_52 = tpu.memref_slice %arg5[%select_n3A, %dma_wait3A, %mul3A_51] : memref<1024x64x768xf32, #tpu.memory_space<hbm>> -> memref<1x64x128xf32, #tpu.memory_space<hbm>>
    %dma_wait3A_53 = tpu.memref_squeeze %dma_wait3A_52 : memref<1x64x128xf32, #tpu.memory_space<hbm>> -> memref<64x128xf32, #tpu.memory_space<hbm>>
    %dma_wait3A_54 = arith.constant 0 : i32
    %dma_wait3A_55 = tpu.memref_slice %arg5[%select_n3A, %dma_wait3A_54, %mul3A_51] : memref<1024x64x768xf32, #tpu.memory_space<hbm>> -> memref<1x64x128xf32, #tpu.memory_space<hbm>>
    %dma_wait3A_56 = tpu.memref_squeeze %dma_wait3A_55 : memref<1x64x128xf32, #tpu.memory_space<hbm>> -> memref<64x128xf32, #tpu.memory_space<hbm>>
    tpu.wait_dma2 semaphore(%arg14 : memref<!tpu.dma_semaphore, #tpu.memory_space<semaphore_mem>>) src(%arg10 : memref<64x128xf32, #tpu.memory_space<vmem>>) dst(%dma_wait3A_56 : memref<64x128xf32, #tpu.memory_space<hbm>>)
    %jit3A_57 = arith.constant 6 : i32
    %div3A_58 = arith.divsi %sub3A_16, %jit3A_57 : i32
    %sign3A_59 = arith.constant 0 : i32
    %sign3A_60 = arith.cmpi sgt, %sub3A_16, %sign3A_59 : i32
    %sign3A_61 = arith.extui %sign3A_60 : i1 to i32
    %sign3A_62 = arith.constant 0 : i32
    %sign3A_63 = arith.cmpi slt, %sub3A_16, %sign3A_62 : i32
    %sign3A_64 = arith.extui %sign3A_63 : i1 to i32
    %sign3A_65 = arith.subi %sign3A_61, %sign3A_64 : i32
    %sign3A_66 = arith.constant 0 : i32
    %sign3A_67 = arith.cmpi sgt, %jit3A_57, %sign3A_66 : i32
    %sign3A_68 = arith.extui %sign3A_67 : i1 to i32
    %sign3A_69 = arith.constant 0 : i32
    %sign3A_70 = arith.cmpi slt, %jit3A_57, %sign3A_69 : i32
    %sign3A_71 = arith.extui %sign3A_70 : i1 to i32
    %sign3A_72 = arith.subi %sign3A_68, %sign3A_71 : i32
    %ne3A_73 = arith.cmpi ne, %sign3A_65, %sign3A_72 : i32
    %rem3A_74 = arith.remsi %sub3A_16, %jit3A_57 : i32
    %ne3A_75 = arith.constant 0 : i32
    %ne3A_76 = arith.cmpi ne, %rem3A_74, %ne3A_75 : i32
    %and3A_77 = arith.andi %ne3A_73, %ne3A_76 : i1
    %sub3A_78 = arith.constant 1 : i32
    %sub3A_79 = arith.subi %div3A_58, %sub3A_78 : i32
    %select_n3A_80 = arith.select %and3A_77, %sub3A_79, %div3A_58 : i32
    %jit3A_81 = arith.constant 6 : i32
    %eq3A_82 = arith.constant 0 : i32
    %eq3A_83 = arith.cmpi eq, %jit3A_81, %eq3A_82 : i32
    %jit3A_84 = arith.constant 1 : i32
    %select_n3A_85 = arith.select %eq3A_83, %jit3A_84, %jit3A_81 : i32
    %rem3A_86 = arith.remsi %sub3A_16, %select_n3A_85 : i32
    %ne3A_87 = arith.constant 0 : i32
    %ne3A_88 = arith.cmpi ne, %rem3A_86, %ne3A_87 : i32
    %lt3A_89 = arith.constant 0 : i32
    %lt3A_90 = arith.cmpi slt, %rem3A_86, %lt3A_89 : i32
    %lt3A_91 = arith.constant 0 : i32
    %lt3A_92 = arith.cmpi slt, %select_n3A_85, %lt3A_91 : i32
    %ne3A_93 = arith.xori %lt3A_90, %lt3A_92 : i1
    %and3A_94 = arith.andi %ne3A_93, %ne3A_88 : i1
    %add3A_95 = arith.addi %rem3A_86, %select_n3A_85 : i32
    %select_n3A_96 = arith.select %and3A_94, %add3A_95, %rem3A_86 : i32
    %mul3A_97 = arith.constant 128 : i32
    %mul3A_98 = arith.muli %select_n3A_96, %mul3A_97 : i32
    %dma_wait3A_99 = arith.constant 0 : i32
    %dma_wait3A_100 = tpu.memref_slice %arg5[%select_n3A_80, %dma_wait3A_99, %mul3A_98] : memref<1024x64x768xf32, #tpu.memory_space<hbm>> -> memref<1x64x128xf32, #tpu.memory_space<hbm>>
    %dma_wait3A_101 = tpu.memref_squeeze %dma_wait3A_100 : memref<1x64x128xf32, #tpu.memory_space<hbm>> -> memref<64x128xf32, #tpu.memory_space<hbm>>
    %dma_wait3A_102 = arith.constant 0 : i32
    %dma_wait3A_103 = tpu.memref_slice %arg5[%select_n3A_80, %dma_wait3A_102, %mul3A_98] : memref<1024x64x768xf32, #tpu.memory_space<hbm>> -> memref<1x64x128xf32, #tpu.memory_space<hbm>>
    %dma_wait3A_104 = tpu.memref_squeeze %dma_wait3A_103 : memref<1x64x128xf32, #tpu.memory_space<hbm>> -> memref<64x128xf32, #tpu.memory_space<hbm>>
    tpu.wait_dma2 semaphore(%arg15 : memref<!tpu.dma_semaphore, #tpu.memory_space<semaphore_mem>>) src(%arg11 : memref<64x128xf32, #tpu.memory_space<vmem>>) dst(%dma_wait3A_104 : memref<64x128xf32, #tpu.memory_space<hbm>>)
    return
  }
}

</mosaic_0001>

<sc_bundles>
// kernel: kernel.3.cloned.1.call-start
scs
__scs_entry_jumppad:
0x0: {  	(pc) =	sbr.rel $0x88, $3  }
0x1: {  	(tag) =	ssettag $0x0;
	lr =	simm.s32 $0x1  }
0x2: {  	[smem:$0x3F9E] =	sst lr;
	_ =	strace $0xD0000000  }
0x3: {  	_ = 	snop  }
0x4: {  	_ = 	snop  }
0x5: {  	_ = 	snop  }
0x6: {  	_ = 	snop  }
0x7: {  	_ = 	snop  }
__scs_overlays_trampoline_lowered:
0x8: {  	[smem:$0x3FAD] =	sst s0  }
0x9: {  	[smem:$0x3FAE] =	sst s1  }
0xa: {  	[smem:$0x3FAF] =	sst s2  }
0xb: {  	[smem:$0x3FB0] =	sst s3  }
0xc: {  	[smem:$0x3FB1] =	sst s4  }
0xd: {  	[smem:$0x3FB2] =	sst s5  }
0xe: {  	[smem:$0x3FB3] =	sst s6  }
0xf: {  	[smem:$0x3FB4] =	sst s7  }
0x10: {  	[smem:$0x3FB5] =	sst s8  }
0x11: {  	[smem:$0x3FB6] =	sst s9;
	s0 =	simm.s32 @!p0 $0x0  }
0x12: {  	s1 =	sld [smem:$0x3F9C];
	s0 =	simm.s32 @p0 $0x1  }
0x13: {  	[smem:$0x3FB7] =	sst s0;
	s0 =	simm.s32 @!p1 $0x0  }
0x14: {  	s2 =	sld [smem:$0x3F9B];
	s0 =	simm.s32 @p1 $0x1  }
0x15: {  	[smem:$0x3FB8] =	sst s0;
	s0 =	simm.s32 @!p2 $0x0  }
0x16: {  	s3 =	sld [smem:$0x3FDB];
	s0 =	simm.s32 @p2 $0x1  }
0x17: {  	s4 =	simm.s32 $0x1BF5;
	[smem:$0x3FBA] =	sst s0  }
0x18: {  	s0 =	sld [smem:$0x3F9D];
	_ =	swait.ge [sflag:s4], $0x0  }
0x19: {  	s7 =	sld [smem:$0x3F9E]  }
0x1a: {  	s8 =	sadd.s32 $0xFFFFE003, lr  }
0x1b: {  	s9 =	sadd.s32 $0xFFFFFEF7, lr;
	s5 =	simm.s32 $0xFFFFFFFF;
	p2 =	slt.u32 s8, $0xFFFFF086  }
0x1c: {  	p1 =	slt.u32 s9, $0xF7A;
	s5 =	simm.s32 @!p2 $0x0  }
0x1d: {  	s5 =	simm.s32 @p1 $0x1;
	p0 =	seq.s32 s7, s2  }
0x1e: {  	s7 =	smul.u32 @!p0 $0xF7A, s2;
	p2 =	seq.s32 @!p0 s5, $0x0  }
0x1f: {  	s9 =	smul.u32 $0xF7A, s1;
	s8 =	simm.s32 @!p0 $0x1BF5;
	p2 =	por !p2, p0  }
0x20: {  	[sflag:s8] =	ssyncset.s32 @!p0 $0xFFFFF086;
	s6 =	sadd.s32 @!p0 s3, s7;
	s7 =	simm.s32 @!p0 $0x108  }
0x21: {  	s3 =	sadd.s32 s3, s9;
	s6 =	sadd.s32 @!p0 $0x88, s6;
	s7 =	simm.s32 @p2 $0x1082  }
0x22: {  	[simem:s7], [sflag:s8] =	dma.local @!p0 [hbm:s6], $0xF7A  }
0x23: {  	s9 =	sor.u32 $0xD0000000, s2;
	s6 =	simm.s32 $0x108;
	_ =	swait.ge @!p0 [sflag:s8], $0x0  }
0x24: {  	s3 =	sadd.s32 $0x88, s3;
	s6 =	simm.s32 @!p1 $0x1082;
	[sflag:s4] =	ssyncset.s32 $0xFFFFF086  }
0x25: {  	[simem:s6], [sflag:s4] =	dma.local [hbm:s3], $0xF7A  }
0x26: {  	[smem:$0x3F9E] =	sst s1;
	(tag) =	ssettag s2;
	_ =	strace s9  }
0x27: {  	s1 =	sld [smem:$0x3FAE]  }
0x28: {  	s2 =	sld [smem:$0x3FAF]  }
0x29: {  	s4 =	sld [smem:$0x3FB1]  }
0x2a: {  	p0 =	seq.s32 s5, $0x0;
	s5 =	sld [smem:$0x3FB2]  }
0x2b: {  	s6 =	sld [smem:$0x3FB3]  }
0x2c: {  	s7 =	sld [smem:$0x3FB4]  }
0x2d: {  	s3 =	simm.s32 $0x108;
	s8 =	sld [smem:$0x3FB5]  }
0x2e: {  	s3 =	simm.s32 @!p0 $0x1082;
	s9 =	sld [smem:$0x3FB6]  }
0x2f: {  	lr =	sadd.s32 s0, s3;
	s0 =	sld [smem:$0x3FAD]  }
0x30: {  	s3 =	sld [smem:$0x3FB0]  }
0x31: {  	[smem:$0x3FB9] =	sst s10  }
0x32: {  	s10 =	sld [smem:$0x3FB7];
	_ =	sdelay $0x3  }
0x33: {  	p0 =	seq.s32 s10, $0x1;
	s10 =	sld [smem:$0x3FB9];
	_ =	sdelay $0x3  }
0x34: {  	[smem:$0x3FB9] =	sst s10  }
0x35: {  	s10 =	sld [smem:$0x3FB8];
	_ =	sdelay $0x3  }
0x36: {  	p1 =	seq.s32 s10, $0x1;
	s10 =	sld [smem:$0x3FB9];
	_ =	sdelay $0x3  }
0x37: {  	[smem:$0x3FB9] =	sst s10  }
0x38: {  	s10 =	sld [smem:$0x3FBA]  }
0x39: {  	_ = 	snop;
	(pc) =	sbr.ind lr, $3  }
0x3a: {  	_ = 	snop  }
0x3b: {  	_ = 	snop  }
0x3c: {  	p2 =	seq.s32 s10, $0x1;
	s10 =	sld [smem:$0x3FB9]  }
0x3d: {  	_ =	shalt  }
0x3e: {  	_ =	shalt  }
0x3f: {  	_ =	shalt  }
0x40: {  	_ =	shalt  }
0x41: {  	_ =	shalt  }
0x42: {  	_ =	shalt  }
0x43: {  	_ =	shalt  }
0x44: {  	_ =	shalt  }
0x45: {  	_ =	shalt  }
0x46: {  	_ =	shalt  }
0x47: {  	_ =	shalt  }
0x48: {  	_ =	shalt  }
0x49: {  	_ =	shalt  }
0x4a: {  	_ =	shalt  }
0x4b: {  	_ =	shalt  }
0x4c: {  	_ =	shalt  }
0x4d: {  	_ =	shalt  }
0x4e: {  	_ =	shalt  }
0x4f: {  	_ =	shalt  }
0x50: {  	_ =	shalt  }
0x51: {  	_ =	shalt  }
0x52: {  	_ =	shalt  }
0x53: {  	_ =	shalt  }
0x54: {  	_ =	shalt  }
0x55: {  	_ =	shalt  }
0x56: {  	_ =	shalt  }
0x57: {  	_ =	shalt  }
0x58: {  	_ =	shalt  }
0x59: {  	_ =	shalt  }
0x5a: {  	_ =	shalt  }
0x5b: {  	_ =	shalt  }
0x5c: {  	_ =	shalt  }
0x5d: {  	_ =	shalt  }
0x5e: {  	_ =	shalt  }
0x5f: {  	_ =	shalt  }
0x60: {  	_ =	shalt  }
0x61: {  	_ =	shalt  }
0x62: {  	_ =	shalt  }
0x63: {  	_ =	shalt  }
0x64: {  	_ =	shalt  }
0x65: {  	_ =	shalt  }
0x66: {  	_ =	shalt  }
0x67: {  	_ =	shalt  }
0x68: {  	_ =	shalt  }
0x69: {  	_ =	shalt  }
0x6a: {  	_ =	shalt  }
0x6b: {  	_ =	shalt  }
0x6c: {  	_ =	shalt  }
0x6d: {  	_ =	shalt  }
0x6e: {  	_ =	shalt  }
0x6f: {  	_ =	shalt  }
0x70: {  	_ =	shalt  }
0x71: {  	_ =	shalt  }
0x72: {  	_ =	shalt  }
0x73: {  	_ =	shalt  }
0x74: {  	_ =	shalt  }
0x75: {  	_ =	shalt  }
0x76: {  	_ =	shalt  }
0x77: {  	_ =	shalt  }
0x78: {  	_ =	shalt  }
0x79: {  	_ =	shalt  }
0x7a: {  	_ =	shalt  }
0x7b: {  	_ =	shalt  }
0x7c: {  	_ =	shalt  }
0x7d: {  	_ =	shalt  }
0x7e: {  	_ =	shalt  }
0x7f: {  	_ =	shalt  }
0x80: {  	_ =	shalt  }
0x81: {  	_ =	shalt  }
0x82: {  	_ =	shalt  }
0x83: {  	_ =	shalt  }
0x84: {  	_ =	shalt  }
0x85: {  	_ =	shalt  }
0x86: {  	_ =	shalt  }
0x87: {  	_ =	shalt  }
.Lfunc_end0:
.L_simem_size_0:
called_computation_lowered:
.L_overlay_start_0:
0x88: {  	s2 =	sld [smem:$0x3FD9]  }
0x89: {  	s3 =	sld [smem:$0x3FFE];
	_ =	sdelay $0x1  }
0x8a: {  	s1 =	srdreg.scid  }
0x8b: {  	s0 =	sand.u32 $0x1, s1  }
0x8c: {  	s17 =	sshll.u32 s0, $0xA;
	s2 =	sadd.s32 s3, s2  }
0x8d: {  	s2 =	sadd.s32 s2, s17  }
0x8e: {  	[smem:$0x3FC5] =	sst s2  }
0x8f: {  	_ = 	snop  }
0x90: {  	s2 =	sld [smem:$0x3FD0];
	(tm) =	ssettm $0x1  }
0x91: {  	s18 =	sld [smem:$0x3FFB];
	_ =	sdelay $0x3  }
0x92: {  	_ =	strace s18  }
0x93: {  	s3 =	sld [smem:$0x3FFC];
	_ =	sdelay $0x3  }
0x94: {  	_ =	strace s3  }
0x95: {  	s3 =	sld [smem:$0x3FFD];
	_ =	sdelay $0x3  }
0x96: {  	_ =	strace s3  }
0x97: {  	_ =	strace $0x8FFFFFFF  }
0x98: {  	s19 =	sld [smem:$0x3FDB];
	_ =	sdelay $0x1  }
0x99: {  	s4 =	simm.s32 $_scs_section_size  }
0x9a: {  	s5 =	simm.s32 $_size__tile_overlayer_lowered;
	s6 =	simm.s32 $_tile_overlayer_lowered  }
0x9b: {  	s22 =	simm.s32 $0x1BFF;
	s21 =	sshll.u32 s6, $0x1;
	s3 =	sadd.s32 s4, s19  }
0x9c: {  	s7 =	simm.s32 $0x0;
	s20 =	sshll.u32 s5, $0x1;
	s5 =	sadd.s32 s21, s3  }
0x9d: {  	[timem:s7], [sflag:s22] =	dma.local [hbm:s5], s20  }
0x9e: {  	_ =	swait.ge [sflag:s22], s20  }
0x9f: {  	s4 =	ssub.s32 $0x0, s20;
	[sflag:s22] =	ssyncset.done $0x0  }
0xa0: {  	[sflag:s22] =	ssyncadd.s32 s4;
	_ =	sdelay $0x1  }
0xa1: {  	s23 =	simm.s32 $0x1B8B  }
0xa2: {  	_ =	swait.ge [sflag:s23], $0x1  }
0xa3: {  	[sflag:s23] =	ssyncset.done $0x0  }
0xa4: {  	s25 =	simm.s32 $0x1B8E;
	s24 =	sld [smem:$0x3FFE];
	[sflag:s23] =	ssyncadd.s32 $0xFFFFFFFF  }
0xa5: {  	s26 =	simm.s32 $execute0_lowered;
	[smem:$0x3FD2] =	sst s25  }
0xa6: {  	s5 =	sshll.u32 s26, $0x1;
	_ =	strace $0x80000046;
	[dreg:$0x1] =	wrdreg $0xFFFFFFFF  }
0xa7: {  	s28 =	simm.s32 $_size_execute0_lowered;
	s3 =	sadd.s32 s3, s5;
	[dreg:$0x0] =	wrdreg $0x0  }
0xa8: {  	s5 =	sshll.u32 s28, $0x1;
	[dreg:$0x2] =	wrdreg s3  }
0xa9: {  	[dreg:$0x3] =	wrdreg s5  }
0xaa: {  	[dreg:$0x4] =	wrdreg $0xC0  }
0xab: {  	_ =	task [dreg:s7], $0x5FFFF  }
0xac: {  	[dreg:$0x1] =	wrdreg $0xFFFFFFFF  }
0xad: {  	[dreg:$0x0] =	wrdreg $0x60  }
0xae: {  	[dreg:$0x2] =	wrdreg s24  }
0xaf: {  	[dreg:$0x3] =	wrdreg s2  }
0xb0: {  	[dreg:$0x4] =	wrdreg $0x9  }
0xb1: {  	_ =	task.clear_ibuf [dreg:s7], $0x5FFFF;
	_ =	strace $0x90000046  }
0xb2: {  	s29 =	simm.s32 $0x9;
	_ =	strace $0x80000048  }
0xb3: {  	_ =	swait.ge [sflag:s29], $0x1  }
0xb4: {  	[sflag:s29] =	ssyncadd.s32 $0xFFFFFFFF  }
0xb5: {  	_ =	strace $0x90000048  }
0xb6: {  	_ =	sfence  }
0xb7: {  	s30 =	sld [smem:$0x0];
	_ =	sdelay $0x2  }
0xb8: {  	s31 =	sshll.u32 s1, $0xD;
	s1 =	sshrl.u32 s1, $0x2  }
0xb9: {  	s3 =	sand.u32 $0x4000, s31;
	s1 =	sadd.s32 s1, s30  }
0xba: {  	s0 =	sor.u32 s3, s0;
	s1 =	sshll.u32 s1, $0x11  }
0xbb: {  	s0 =	sor.u32 s1, s0  }
0xbc: {  	s0 =	sadd.s32 $0x8F2B, s0  }
0xbd: {  	[sflag:s0] =	ssyncadd.remote.s32 $0x1  }
0xbe: {  	_ =	sfence.sel $0xFFFF  }
0xbf: {  	[dreg:$0x0] =	wrdreg $0xFFFFFFFF;
	(pc) =	sbr.abs _section_cstart, $3  }
0xc0: {  	[dreg:$0x1] =	wrdreg $0xFFFFFFFF  }
0xc1: {  	_ =	task.clear_ibuf [dreg:s7], $0x2FFFF;
	_ =	strace $0x9FFFFFFF  }
0xc2: {  	(tm) =	ssettm $0x7FFFFFFF  }
0xc3: {  	_ =	shalt  }
tec
execute0_lowered:
.L_overlay_start_1:
0x0: {  	(tag) =	ssettag $0x1  }
0x1: {  	s0 =	srdreg.scid;
	s1 =	rddreg [dreg:$0x0]  }
0x2: {  	s9 =	stileid.u32;
	s2 =	rddreg [dreg:$0x1]  }
0x3: {  	s5 =	simm.s32 $0x0;
	s13 =	simm.s32 $0x5;
	s14 =	simm.s32 $0x80  }
0x4: {  	s15 =	simm.s32 $0x12000;
	s16 =	simm.s32 $0x16000;
	s6 =	smul.u32 $0xC00000, s9  }
0x5: {  	s0 =	sand.u32 $0x1, s0;
	s3 =	sshll.u32 s9, $0x1;
	s9 =	smul.u32 $0x180, s9  }
0x6: {  	s17 =	simm.s32 $0x1;
	s18 =	simm.s32 $0x400;
	s8 =	smul.u32 $0x600000, s0  }
0x7: {  	s3 =	sor.u32 s0, s3;
	s7 =	ssub.s32 $0x2, s0;
	s0 =	smul.u32 $0xC0, s0  }
0x8: {  	s19 =	simm.s32 $0x1800;
	[smem:$0x7FF] =	sst s5;
	s4 =	smul.u32 $0xC00, s3  }
0x9: {  	s20 =	simm.s32 $0x1A000;
	s21 =	simm.s32 $0x2;
	_ =	strace $0x80000047  }
0xa: {  	s26 =	sshrl.u32 s7, $0x1;
	s0 =	sadd.s32 s0, s9;
	s25 =	sadd.s32 s4, s1  }
0xb: {  	v0 =	vlaneseq.u32;
	s4 =	sadd.s32 $0xF5C400, s1;
	s1 =	sadd.s32 $0xF5AC00, s1;
	[dreg:$0x7] =	wrdreg s0  }
0xc: {  	v0 =	vmul.u32 $0x80, v0;
	s28 =	sadd.s32 s8, s6;
	s0 =	sor.u32 $0x1, s0;
	[dreg:$0x3] =	wrdreg s1  }
0xd: {  	s30 =	sshrl.u32 s28, $0x2;
	s29 =	sadd.s32 $0xF42C00, s25;
	[dreg:$0x8] =	wrdreg s0  }
0xe: {  	v1 =	vor.u32 $0x800, v0;
	s1 =	ssub.s32 s7, s26;
	s31 =	sor.u32 $0x6000, s30;
	[dreg:$0x4] =	wrdreg s29  }
0xf: {  	s22 =	simm.s32 $0x1C000;
	v2 =	vor.u32 $0x1000, v0;
	v3 =	vor.u32 $0x1800, v0;
	v4 =	vor.u32 $0x2000, v0;
	s1 =	smax.u32 s1, $0x1;
	[dreg:$0x6] =	wrdreg s31  }
0x10: {  	v5 =	vor.u32 $0x2800, v0;
	v6 =	vor.u32 $0x3000, v0;
	v7 =	vor.u32 $0x3800, v0;
	s6 =	smul.u32 $0xC0, s3;
	s25 =	simm.s32 $0x0;
	[dreg:$0x5] =	wrdreg s1  }
.LBB2_1:
0x11: {  	s0 =	simm.s32 $0x0;
	s1 =	rddreg [dreg:$0x3];
	s3 =	simm.s32 $0x6000  }
0x12: {  	[tilespmem:s3], [sflag:$0x5] =	stream.linear.gather [hbm4b:s1+s0], $0xC000, $0x38;
	[tilespmem:$0x1E000] =	vst v63  }
0x13: {  	_ =	swait.ge [sflag:s13], $0xC000  }
0x14: {  	[sflag:s13] =	ssyncset.done $0x0  }
0x15: {  	s31 =	rddreg [dreg:$0x4];
	[sflag:s13] =	ssyncadd.s32 $0xFFFF4000  }
0x16: {  	[tilespmem:s0], [sflag:$0x5] =	stream.linear.gather [hbm4b:s31+s0], $0x6000, $0x38;
	[tilespmem:$0x1E000] =	vst v63  }
0x17: {  	_ =	swait.ge [sflag:s13], $0x6000  }
0x18: {  	s26 =	rddreg [dreg:$0x8]  }
0x19: {  	[sflag:s13] =	ssyncset.done $0x0;
	s28 =	rddreg [dreg:$0x7]  }
0x1a: {  	s30 =	simm.s32 $0x0;
	s29 =	rddreg [dreg:$0x6];
	[sflag:s13] =	ssyncadd.s32 $0xFFFFA000  }
0x1b: {  	[tilespmem:s15], [sflag:$0x1] =	stream.indirect.gather [hbm4b:s4+s14], $0x80, s0, s14, $0xb8;
	[tilespmem:$0x1E000] =	vst v63  }
.LBB2_2:
0x1c: {  	s0 =	smulhi.u32 $0xAAAAAAAB, s28  }
0x1d: {  	s1 =	sshll.u32 s30, $0x8  }
0x1e: {  	s31 =	sand.u32 $0x3FFFFF00, s1;
	s0 =	sshrl.u32 s0, $0x2  }
0x1f: {  	s1 =	sor.u32 $0x80, s31;
	s0 =	smul.u32 $0xFFFD0000, s0  }
0x20: {  	[tilespmem:s16], [sflag:$0x2] =	stream.indirect.gather [hbm4b:s4+s14], $0x80, s1, s14, $0xb8;
	[tilespmem:$0x1E000] =	vst v63  }
0x21: {  	s0 =	sshra.s32 s0, $0x2  }
0x22: {  	_ =	swait.ge [sflag:s17], $0x4000;
	s0 =	sadd.s32 s0, s29  }
0x23: {  	p0 =	seq.s32 s30, $0x0;
	[sflag:s17] =	ssyncset.done $0x0;
	v8 =	vmov s0  }
0x24: {  	[sflag:s17] =	ssyncadd.s32 $0xFFFFC000;
	s0 =	simm.s32 @!p0 $0x3  }
0x25: {  	_ =	swait.ge @!p0 [sflag:s0], $0x2000  }
0x26: {  	[sflag:s0] =	ssyncset.done @!p0 $0x0  }
0x27: {  	s9 =	simm.s32 $0x0;
	[sflag:s0] =	ssyncadd.s32 @!p0 $0xFFFFE000  }
0x28: {  	v9 =	vld.idx.msk [tilespmem:v8+s9+$0x80 ss:$0x1], $0xffff;
	_ =	sdelay $0x4  }
0x29: {  	v10 =	vld.idx.msk [tilespmem:v8+s9+$0x0 ss:$0x1], $0xffff;
	[tilespmem:s9+$0x1A080] =	vst v9  }
0x2a: {  	v9 =	vld.idx.msk [tilespmem:v8+s9+$0x90 ss:$0x1], $0xffff;
	_ =	sdelay $0x3  }
0x2b: {  	s7 =	simm.s32 $0x100;
	[tilespmem:s9+$0x1A000] =	vst v10  }
0x2c: {  	v10 =	vld.idx.msk [tilespmem:v8+s7+$0x80 ss:$0x1], $0xffff;
	[tilespmem:s9+$0x1A090] =	vst v9  }
0x2d: {  	v9 =	vld.idx.msk [tilespmem:v8+s9+$0xA0 ss:$0x1], $0xffff;
	_ =	sdelay $0x1  }
0x2e: {  	v11 =	vld.idx.msk [tilespmem:v8+s9+$0x10 ss:$0x1], $0xffff  }
0x2f: {  	s8 =	simm.s32 $0x200;
	v12 =	vld.idx.msk [tilespmem:v8+s7+$0x0 ss:$0x1], $0xffff  }
0x30: {  	v13 =	vld.idx.msk [tilespmem:v8+s8+$0x80 ss:$0x1], $0xffff;
	[tilespmem:s7+$0x1A080] =	vst v10  }
0x31: {  	v10 =	vld.idx.msk [tilespmem:v8+s7+$0x90 ss:$0x1], $0xffff;
	[tilespmem:s9+$0x1A0A0] =	vst v9  }
0x32: {  	v9 =	vld.idx.msk [tilespmem:v8+s9+$0xB0 ss:$0x1], $0xffff  }
0x33: {  	v14 =	vld.idx.msk [tilespmem:v8+s8+$0x0 ss:$0x1], $0xffff;
	[tilespmem:s9+$0x1A010] =	vst v11  }
0x34: {  	s11 =	simm.s32 $0x300;
	[tilespmem:s7+$0x1A000] =	vst v12;
	v11 =	vld.idx.msk [tilespmem:v8+s9+$0x20 ss:$0x1], $0xffff  }
0x35: {  	v15 =	vld.idx.msk [tilespmem:v8+s11+$0x80 ss:$0x1], $0xffff;
	[tilespmem:s8+$0x1A080] =	vst v13  }
0x36: {  	v12 =	vld.idx.msk [tilespmem:v8+s7+$0x10 ss:$0x1], $0xffff;
	[tilespmem:s7+$0x1A090] =	vst v10  }
0x37: {  	v10 =	vld.idx.msk [tilespmem:v8+s7+$0xA0 ss:$0x1], $0xffff;
	[tilespmem:s9+$0x1A0B0] =	vst v9  }
0x38: {  	[tilespmem:s8+$0x1A000] =	vst v14;
	v9 =	vld.idx.msk [tilespmem:v8+s9+$0xC0 ss:$0x1], $0xffff  }
0x39: {  	v13 =	vld.idx.msk [tilespmem:v8+s8+$0x90 ss:$0x1], $0xffff;
	[tilespmem:s9+$0x1A020] =	vst v11  }
0x3a: {  	[tilespmem:s11+$0x1A080] =	vst v15;
	v11 =	vld.idx.msk [tilespmem:v8+s9+$0x30 ss:$0x1], $0xffff  }
0x3b: {  	v14 =	vld.idx.msk [tilespmem:v8+s8+$0x10 ss:$0x1], $0xffff;
	[tilespmem:s7+$0x1A010] =	vst v12  }
0x3c: {  	v12 =	vld.idx.msk [tilespmem:v8+s7+$0x20 ss:$0x1], $0xffff;
	[tilespmem:s7+$0x1A0A0] =	vst v10  }
0x3d: {  	v10 =	vld.idx.msk [tilespmem:v8+s7+$0xB0 ss:$0x1], $0xffff;
	[tilespmem:s9+$0x1A0C0] =	vst v9  }
0x3e: {  	[tilespmem:s8+$0x1A090] =	vst v13;
	v9 =	vld.idx.msk [tilespmem:v8+s9+$0xD0 ss:$0x1], $0xffff  }
0x3f: {  	v16 =	vld.idx.msk [tilespmem:v8+s11+$0x90 ss:$0x1], $0xffff;
	[tilespmem:s9+$0x1A030] =	vst v11  }
0x40: {  	[tilespmem:s8+$0x1A010] =	vst v14;
	v11 =	vld.idx.msk [tilespmem:v8+s9+$0x40 ss:$0x1], $0xffff  }
0x41: {  	v14 =	vld.idx.msk [tilespmem:v8+s11+$0x0 ss:$0x1], $0xffff;
	[tilespmem:s7+$0x1A020] =	vst v12  }
0x42: {  	v12 =	vld.idx.msk [tilespmem:v8+s7+$0x30 ss:$0x1], $0xffff;
	[tilespmem:s7+$0x1A0B0] =	vst v10  }
0x43: {  	v10 =	vld.idx.msk [tilespmem:v8+s7+$0xC0 ss:$0x1], $0xffff;
	[tilespmem:s9+$0x1A0D0] =	vst v9  }
0x44: {  	[tilespmem:s11+$0x1A090] =	vst v16;
	v9 =	vld.idx.msk [tilespmem:v8+s9+$0xE0 ss:$0x1], $0xffff  }
0x45: {  	v13 =	vld.idx.msk [tilespmem:v8+s8+$0xA0 ss:$0x1], $0xffff;
	[tilespmem:s9+$0x1A040] =	vst v11  }
0x46: {  	[tilespmem:s11+$0x1A000] =	vst v14;
	v11 =	vld.idx.msk [tilespmem:v8+s9+$0x50 ss:$0x1], $0xffff  }
0x47: {  	v14 =	vld.idx.msk [tilespmem:v8+s11+$0xA0 ss:$0x1], $0xffff;
	[tilespmem:s7+$0x1A030] =	vst v12  }
0x48: {  	v12 =	vld.idx.msk [tilespmem:v8+s8+$0x20 ss:$0x1], $0xffff;
	[tilespmem:s7+$0x1A0C0] =	vst v10  }
0x49: {  	v10 =	vld.idx.msk [tilespmem:v8+s7+$0xD0 ss:$0x1], $0xffff;
	[tilespmem:s9+$0x1A0E0] =	vst v9  }
0x4a: {  	[tilespmem:s8+$0x1A0A0] =	vst v13;
	v9 =	vld.idx.msk [tilespmem:v8+s9+$0xF0 ss:$0x1], $0xffff  }
0x4b: {  	[tilespmem:s9+$0x1A050] =	vst v11;
	v11 =	vld.idx.msk [tilespmem:v8+s8+$0xB0 ss:$0x1], $0xffff  }
0x4c: {  	s23 =	smulhi.u32 $0xAAAAAAAB, s26;
	s24 =	sshll.u32 s30, $0x1;
	v15 =	vld.idx.msk [tilespmem:v8+s7+$0x40 ss:$0x1], $0xffff  }
0x4d: {  	s1 =	sadd.s32 s6, s24;
	[tilespmem:s8+$0x1A020] =	vst v12;
	v17 =	vld.idx.msk [tilespmem:v8+s9+$0x60 ss:$0x1], $0xffff  }
0x4e: {  	s3 =	sshrl.u32 s23, $0x2;
	s0 =	smulhi.u32 $0x2AAAAAAB, s1;
	v13 =	vld.idx.msk [tilespmem:v8+s11+$0x10 ss:$0x1], $0xffff;
	[tilespmem:s7+$0x1A0D0] =	vst v10  }
0x4f: {  	s3 =	smul.u32 $0xFFFD0000, s3;
	[tilespmem:s9+$0x1A0F0] =	vst v9;
	v9 =	vld.idx.msk [tilespmem:v8+s7+$0xE0 ss:$0x1], $0xffff  }
0x50: {  	s5 =	smul.u32 $0x6, s0;
	v12 =	vld.idx.msk [tilespmem:v8+s8+$0x30 ss:$0x1], $0xffff;
	[tilespmem:s8+$0x1A0B0] =	vst v11  }
0x51: {  	s10 =	simm.s32 $0x0;
	s23 =	simm.s32 $0x1000;
	s3 =	sshra.s32 s3, $0x2;
	[tilespmem:s7+$0x1A040] =	vst v15;
	v11 =	vld.idx.msk [tilespmem:v8+s8+$0xC0 ss:$0x1], $0xffff  }
0x52: {  	s12 =	sadd.s32 s3, s29;
	s3 =	simm.s32 $0x6;
	s5 =	ssub.s32 s1, s5;
	v10 =	vld.idx.msk [tilespmem:v8+s7+$0x50 ss:$0x1], $0xffff;
	[tilespmem:s9+$0x1A060] =	vst v17  }
.LBB2_3:
0x53: {  	s24 =	sshra.s32 s23, $0x2;
	s3 =	sadd.s32 $0x2, s3;
	[tilespmem:s11+$0x1A010] =	vst v13;
	v13 =	vld.idx.msk [tilespmem:v8+s9+$0x70 ss:$0x1], $0xffff  }
0x54: {  	v15 =	vld.idx.msk [tilespmem:v8+s24+$0x80 ss:$0x1], $0xffff;
	p1 =	slt.u32 s3, $0x3E;
	[tilespmem:s7+$0x1A0E0] =	vst v9  }
0x55: {  	[tilespmem:s8+$0x1A030] =	vst v12;
	v9 =	vld.idx.msk [tilespmem:v8+s7+$0xF0 ss:$0x1], $0xffff  }
0x56: {  	v12 =	vld.idx.msk [tilespmem:v8+s24+$0x0 ss:$0x1], $0xffff;
	[tilespmem:s8+$0x1A0C0] =	vst v11  }
0x57: {  	v11 =	vld.idx.msk [tilespmem:v8+s8+$0xD0 ss:$0x1], $0xffff;
	[tilespmem:s7+$0x1A050] =	vst v10  }
0x58: {  	v10 =	vld.idx.msk [tilespmem:v8+s11+$0x20 ss:$0x1], $0xffff;
	[tilespmem:s11+$0x1A0A0] =	vst v14  }
0x59: {  	v14 =	vld.idx.msk [tilespmem:v8+s11+$0xB0 ss:$0x1], $0xffff;
	[tilespmem:s9+$0x1A070] =	vst v13;
	s9 =	smov.u32 s7;
	s7 =	smov.u32 s8;
	s8 =	smov.u32 s11  }
0x5a: {  	s11 =	smov.u32 s24;
	[tilespmem:s24+$0x1A080] =	vst v15;
	v15 =	vld.idx.msk [tilespmem:v8+s7+$0x40 ss:$0x1], $0xffff  }
0x5b: {  	v16 =	vld.idx.msk [tilespmem:v8+s11+$0x90 ss:$0x1], $0xffff;
	[tilespmem:s9+$0x1A0F0] =	vst v9  }
0x5c: {  	[tilespmem:s11+$0x1A000] =	vst v12;
	v17 =	vld.idx.msk [tilespmem:v8+s9+$0x60 ss:$0x1], $0xffff  }
0x5d: {  	v13 =	vld.idx.msk [tilespmem:v8+s11+$0x10 ss:$0x1], $0xffff;
	[tilespmem:s7+$0x1A0D0] =	vst v11  }
.Ltmp0:
0x5e: {  	[tilespmem:s8+$0x1A020] =	vst v10;
	v9 =	vld.idx.msk [tilespmem:v8+s7+$0xE0 ss:$0x1], $0xffff;
	(pc) =	sbr.rel @p1 .LBB2_3-.Ltmp0, $4  }
0x5f: {  	v12 =	vld.idx.msk [tilespmem:v8+s8+$0x30 ss:$0x1], $0xffff;
	[tilespmem:s8+$0x1A0B0] =	vst v14  }
0x60: {  	v11 =	vld.idx.msk [tilespmem:v8+s8+$0xC0 ss:$0x1], $0xffff;
	[tilespmem:s7+$0x1A040] =	vst v15  }
0x61: {  	[tilespmem:s11+$0x1A090] =	vst v16;
	v10 =	vld.idx.msk [tilespmem:v8+s7+$0x50 ss:$0x1], $0xffff  }
0x62: {  	s23 =	sadd.s32 $0x400, s23;
	v14 =	vld.idx.msk [tilespmem:v8+s11+$0xA0 ss:$0x1], $0xffff;
	[tilespmem:s9+$0x1A060] =	vst v17  }
0x63: {  	_ =	sdelay $0x2  }
0x64: {  	[tilespmem:s11+$0x1A010] =	vst v13  }
0x65: {  	v13 =	vld.idx.msk [tilespmem:v8+s11+$0x20 ss:$0x1], $0xffff;
	_ =	sdelay $0x3  }
0x66: {  	[tilespmem:s11+$0x1A0A0] =	vst v14  }
0x67: {  	v14 =	vld.idx.msk [tilespmem:v8+s11+$0xB0 ss:$0x1], $0xffff;
	[tilespmem:s11+$0x1A020] =	vst v13  }
0x68: {  	v13 =	vld.idx.msk [tilespmem:v8+s11+$0x30 ss:$0x1], $0xffff;
	_ =	sdelay $0x2  }
0x69: {  	[tilespmem:s8+$0x1A030] =	vst v12  }
0x6a: {  	v12 =	vld.idx.msk [tilespmem:v8+s8+$0x40 ss:$0x1], $0xffff;
	[tilespmem:s11+$0x1A0B0] =	vst v14  }
0x6b: {  	v14 =	vld.idx.msk [tilespmem:v8+s11+$0xC0 ss:$0x1], $0xffff;
	[tilespmem:s11+$0x1A030] =	vst v13  }
0x6c: {  	[tilespmem:s8+$0x1A0C0] =	vst v11;
	v13 =	vld.idx.msk [tilespmem:v8+s11+$0x40 ss:$0x1], $0xffff  }
0x6d: {  	[tilespmem:s7+$0x1A0E0] =	vst v9;
	v11 =	vld.idx.msk [tilespmem:v8+s8+$0xD0 ss:$0x1], $0xffff  }
0x6e: {  	[tilespmem:s7+$0x1A050] =	vst v10  }
0x6f: {  	v10 =	vld.idx.msk [tilespmem:v8+s7+$0x60 ss:$0x1], $0xffff;
	[tilespmem:s8+$0x1A040] =	vst v12  }
0x70: {  	v12 =	vld.idx.msk [tilespmem:v8+s8+$0x50 ss:$0x1], $0xffff;
	[tilespmem:s11+$0x1A0C0] =	vst v14  }
0x71: {  	v14 =	vld.idx.msk [tilespmem:v8+s11+$0xD0 ss:$0x1], $0xffff;
	[tilespmem:s11+$0x1A040] =	vst v13  }
0x72: {  	[tilespmem:s8+$0x1A0D0] =	vst v11;
	v9 =	vld.idx.msk [tilespmem:v8+s11+$0x50 ss:$0x1], $0xffff  }
0x73: {  	v11 =	vld.idx.msk [tilespmem:v8+s8+$0xE0 ss:$0x1], $0xffff  }
0x74: {  	[tilespmem:s7+$0x1A060] =	vst v10;
	v13 =	vld.idx.msk [tilespmem:v8+s9+$0x70 ss:$0x1], $0xffff  }
0x75: {  	v10 =	vld.idx.msk [tilespmem:v8+s7+$0x70 ss:$0x1], $0xffff;
	[tilespmem:s8+$0x1A050] =	vst v12  }
0x76: {  	v12 =	vld.idx.msk [tilespmem:v8+s8+$0x60 ss:$0x1], $0xffff;
	[tilespmem:s11+$0x1A0D0] =	vst v14  }
0x77: {  	v14 =	vld.idx.msk [tilespmem:v8+s11+$0xE0 ss:$0x1], $0xffff;
	[tilespmem:s11+$0x1A050] =	vst v9  }
0x78: {  	[tilespmem:s8+$0x1A0E0] =	vst v11;
	v9 =	vld.idx.msk [tilespmem:v8+s11+$0x60 ss:$0x1], $0xffff  }
0x79: {  	[tilespmem:s9+$0x1A070] =	vst v13;
	v13 =	vld.idx.msk [tilespmem:v8+s7+$0xF0 ss:$0x1], $0xffff  }
0x7a: {  	s3 =	simm.s32 $0x3;
	s23 =	simm.s32 $0x1;
	[tilespmem:s7+$0x1A070] =	vst v10  }
0x7b: {  	v15 =	vmov s23;
	s23 =	simm.s32 $0x5;
	v11 =	vld.idx.msk [tilespmem:v8+s8+$0xF0 ss:$0x1], $0xffff;
	[tilespmem:s8+$0x1A060] =	vst v12;
	v12 =	vmov s3  }
0x7c: {  	s24 =	simm.s32 $0x2;
	v10 =	vmov s23;
	v16 =	vld.idx.msk [tilespmem:v8+s8+$0x70 ss:$0x1], $0xffff;
	v12 =	vand.u32 $0x7F, v12;
	[tilespmem:s11+$0x1A0E0] =	vst v14  }
0x7d: {  	v12 =	vbroadcast v12, $0x0;
	v14 =	vmov s24;
	v17 =	vld.idx.msk [tilespmem:v8+s11+$0xF0 ss:$0x1], $0xffff;
	[tilespmem:s11+$0x1A060] =	vst v9;
	v9 =	vand.u32 $0x7D, v15  }
0x7e: {  	[tilespmem:s7+$0x1A0F0] =	vst v13;
	v14 =	vand.u32 $0x7E, v14;
	v13 =	vld.idx.msk [tilespmem:v8+s11+$0x70 ss:$0x1], $0xffff;
	v15 =	vbroadcast v9, $0x0;
	v8 =	vmov s10  }
0x7f: {  	v9 =	vbroadcast v14, $0x0;
	v14 =	vor.u32 v0, v12;
	v8 =	vand.u32 $0x7C, v8  }
0x80: {  	v18 =	vand.u32 $0x7D, v10;
	[tilespmem:s8+$0x1A0F0] =	vst v11;
	v11 =	vor.u32 v0, v15;
	v10 =	vbroadcast v8, $0x0  }
0x81: {  	[tilespmem:s8+$0x1A070] =	vst v16;
	v16 =	vor.u32 v0, v9;
	v8 =	vbroadcast v18, $0x0  }
0x82: {  	[tilespmem:s11+$0x1A0F0] =	vst v17;
	v17 =	vor.u32 v0, v10  }
0x83: {  	[tilespmem:s11+$0x1A070] =	vst v13;
	v13 =	vor.u32 v0, v8  }
0x84: {  	v14 =	vld.idx.msk [tilespmem:v14+s15+$0x0], $0xffff  }
0x85: {  	v19 =	vor.u32 v1, v12;
	v18 =	vld.idx.msk [tilespmem:v11+s15+$0x0], $0xffff  }
0x86: {  	v16 =	vld.idx.msk [tilespmem:v16+s15+$0x0], $0xffff  }
0x87: {  	v17 =	vld.idx.msk [tilespmem:v17+s15+$0x0], $0xffff  }
0x88: {  	s8 =	simm.s32 $0x1A1F0;
	v11 =	vld.idx.msk [tilespmem:v13+s15+$0x0], $0xffff  }
0x89: {  	v13 =	vor.u32 v1, v15;
	[tilespmem:s8+$0xFFFFFF90] =	vst.add.f32.msk $0xffff, v14  }
0x8a: {  	v14 =	vor.u32 v1, v9;
	v19 =	vld.idx.msk [tilespmem:v19+s15+$0x0], $0xffff  }
0x8b: {  	[tilespmem:s8+$0xFFFFFE90] =	vst.add.f32.msk $0xffff, v18  }
0x8c: {  	[tilespmem:s8+$0xFFFFFF10] =	vst.add.f32.msk $0xffff, v16;
	v16 =	vor.u32 v2, v12  }
0x8d: {  	[tilespmem:s8+$0xFFFFFE10] =	vst.add.f32.msk $0xffff, v17;
	v17 =	vor.u32 v1, v10  }
0x8e: {  	v13 =	vld.idx.msk [tilespmem:v13+s15+$0x0], $0xffff  }
0x8f: {  	v14 =	vld.idx.msk [tilespmem:v14+s15+$0x0], $0xffff  }
0x90: {  	v18 =	vor.u32 v2, v15;
	[tilespmem:s8+$0xFFFFFFA0] =	vst.add.f32.msk $0xffff, v19  }
0x91: {  	v16 =	vld.idx.msk [tilespmem:v16+s15+$0x0], $0xffff  }
0x92: {  	v19 =	vor.u32 v3, v12;
	v17 =	vld.idx.msk [tilespmem:v17+s15+$0x0], $0xffff  }
0x93: {  	[tilespmem:s8+$0xFFFFFEA0] =	vst.add.f32.msk $0xffff, v13  }
0x94: {  	v13 =	vor.u32 v2, v9;
	[tilespmem:s8+$0xFFFFFF20] =	vst.add.f32.msk $0xffff, v14  }
0x95: {  	v14 =	vor.u32 v2, v10;
	v18 =	vld.idx.msk [tilespmem:v18+s15+$0x0], $0xffff  }
0x96: {  	[tilespmem:s8+$0xFFFFFFB0] =	vst.add.f32.msk $0xffff, v16  }
0x97: {  	v16 =	vor.u32 v3, v15;
	v19 =	vld.idx.msk [tilespmem:v19+s15+$0x0], $0xffff  }
0x98: {  	[tilespmem:s8+$0xFFFFFE20] =	vst.add.f32.msk $0xffff, v17  }
0x99: {  	v17 =	vor.u32 v4, v12;
	v13 =	vld.idx.msk [tilespmem:v13+s15+$0x0], $0xffff  }
0x9a: {  	v14 =	vld.idx.msk [tilespmem:v14+s15+$0x0], $0xffff  }
0x9b: {  	[tilespmem:s8+$0xFFFFFEB0] =	vst.add.f32.msk $0xffff, v18  }
0x9c: {  	v18 =	vor.u32 v3, v9;
	v16 =	vld.idx.msk [tilespmem:v16+s15+$0x0], $0xffff  }
0x9d: {  	v20 =	vor.u32 v3, v10;
	[tilespmem:s8+$0xFFFFFFC0] =	vst.add.f32.msk $0xffff, v19  }
0x9e: {  	v17 =	vld.idx.msk [tilespmem:v17+s15+$0x0], $0xffff  }
0x9f: {  	[tilespmem:s8+$0xFFFFFF30] =	vst.add.f32.msk $0xffff, v13  }
0xa0: {  	v13 =	vor.u32 v5, v12;
	[tilespmem:s8+$0xFFFFFE30] =	vst.add.f32.msk $0xffff, v14  }
0xa1: {  	v14 =	vor.u32 v4, v15;
	v18 =	vld.idx.msk [tilespmem:v18+s15+$0x0], $0xffff  }
0xa2: {  	v19 =	vld.idx.msk [tilespmem:v20+s15+$0x0], $0xffff  }
0xa3: {  	[tilespmem:s8+$0xFFFFFEC0] =	vst.add.f32.msk $0xffff, v16  }
0xa4: {  	v16 =	vor.u32 v4, v9;
	[tilespmem:s8+$0xFFFFFFD0] =	vst.add.f32.msk $0xffff, v17  }
0xa5: {  	v17 =	vor.u32 v4, v10;
	v13 =	vld.idx.msk [tilespmem:v13+s15+$0x0], $0xffff  }
0xa6: {  	v14 =	vld.idx.msk [tilespmem:v14+s15+$0x0], $0xffff  }
0xa7: {  	[tilespmem:s8+$0xFFFFFF40] =	vst.add.f32.msk $0xffff, v18  }
0xa8: {  	v18 =	vor.u32 v6, v12;
	[tilespmem:s8+$0xFFFFFE40] =	vst.add.f32.msk $0xffff, v19  }
0xa9: {  	v19 =	vor.u32 v5, v15;
	v16 =	vld.idx.msk [tilespmem:v16+s15+$0x0], $0xffff  }
0xaa: {  	v17 =	vld.idx.msk [tilespmem:v17+s15+$0x0], $0xffff  }
0xab: {  	[tilespmem:s8+$0xFFFFFFE0] =	vst.add.f32.msk $0xffff, v13  }
0xac: {  	v13 =	vor.u32 v5, v9;
	[tilespmem:s8+$0xFFFFFED0] =	vst.add.f32.msk $0xffff, v14  }
0xad: {  	v18 =	vld.idx.msk [tilespmem:v18+s15+$0x0], $0xffff  }
0xae: {  	v14 =	vld.idx.msk [tilespmem:v19+s15+$0x0], $0xffff;
	v19 =	vor.u32 v5, v10  }
0xaf: {  	v12 =	vor.u32 v7, v12;
	[tilespmem:s8+$0xFFFFFF50] =	vst.add.f32.msk $0xffff, v16  }
0xb0: {  	[tilespmem:s8+$0xFFFFFE50] =	vst.add.f32.msk $0xffff, v17  }
0xb1: {  	v17 =	vor.u32 v6, v15;
	v20 =	vld.idx.msk [tilespmem:v13+s15+$0x0], $0xffff  }
0xb2: {  	[tilespmem:s8+$0xFFFFFFF0] =	vst.add.f32.msk $0xffff, v18  }
0xb3: {  	v21 =	vor.u32 v6, v9;
	v13 =	vld.idx.msk [tilespmem:v19+s15+$0x0], $0xffff  }
0xb4: {  	v16 =	vld.idx.msk [tilespmem:v12+s15+$0x0], $0xffff  }
0xb5: {  	[tilespmem:s8+$0xFFFFFEE0] =	vst.add.f32.msk $0xffff, v14  }
0xb6: {  	s24 =	simm.s32 $0x6;
	v14 =	vld.idx.msk [tilespmem:v17+s15+$0x0], $0xffff;
	v17 =	vor.u32 v6, v10  }
0xb7: {  	s3 =	simm.s32 $0x7;
	v12 =	vmov s24;
	[tilespmem:s8+$0xFFFFFF60] =	vst.add.f32.msk $0xffff, v20  }
0xb8: {  	s9 =	simm.s32 $0x4;
	s7 =	simm.s32 $0x1A1F0;
	s11 =	simm.s32 $0x8;
	v18 =	vor.u32 v7, v15;
	v19 =	vand.u32 $0x7E, v12;
	v15 =	vld.idx.msk [tilespmem:v21+s15+$0x0], $0xffff  }
.LBB2_5:
0xb9: {  	p1 =	slt.u32 s11, $0x3C;
	v12 =	vbroadcast v19, $0x0;
	v19 =	vmov s3;
	[tilespmem:s8+$0x0] =	vst.add.f32.msk $0xffff, v16  }
0xba: {  	v16 =	vand.u32 $0x7F, v19;
	[tilespmem:s8+$0xFFFFFE60] =	vst.add.f32.msk $0xffff, v13;
	v19 =	vor.u32 v7, v9  }
0xbb: {  	v20 =	vor.u32 v0, v12;
	v13 =	vbroadcast v16, $0x0;
	v16 =	vld.idx.msk [tilespmem:v17+s15+$0x0], $0xffff;
	v9 =	vmov v12  }
0xbc: {  	[tilespmem:s8+$0xFFFFFEF0] =	vst.add.f32.msk $0xffff, v14  }
0xbd: {  	s3 =	sadd.s32 $0x1, s11;
	v12 =	vmov s9;
	s9 =	smov.u32 s11;
	v14 =	vor.u32 v0, v13;
	v17 =	vld.idx.msk [tilespmem:v18+s15+$0x0], $0xffff  }
0xbe: {  	v21 =	vor.u32 v7, v10;
	v12 =	vand.u32 $0x7C, v12;
	v18 =	vmov s3;
	[tilespmem:s8+$0xFFFFFF70] =	vst.add.f32.msk $0xffff, v15  }
0xbf: {  	v10 =	vbroadcast v12, $0x0;
	v15 =	vand.u32 $0x7D, v18;
	v18 =	vld.idx.msk [tilespmem:v19+s15+$0x0], $0xffff  }
0xc0: {  	v12 =	vbroadcast v15, $0x0;
	v15 =	vld.idx.msk [tilespmem:v20+s15+$0x0], $0xffff  }
0xc1: {  	v19 =	vor.u32 v0, v10;
	[tilespmem:s8+$0xFFFFFE70] =	vst.add.f32.msk $0xffff, v16  }
0xc2: {  	v16 =	vor.u32 v0, v12;
	v14 =	vld.idx.msk [tilespmem:v14+s15+$0x0], $0xffff  }
0xc3: {  	v20 =	vld.idx.msk [tilespmem:v21+s15+$0x0], $0xffff  }
0xc4: {  	v21 =	vor.u32 v1, v13;
	[tilespmem:s8+$0xFFFFFF00] =	vst.add.f32.msk $0xffff, v17  }
0xc5: {  	[tilespmem:s8+$0xFFFFFF80] =	vst.add.f32.msk $0xffff, v18  }
0xc6: {  	v17 =	vld.idx.msk [tilespmem:v19+s15+$0x0], $0xffff  }
0xc7: {  	s8 =	sadd.s32 $0x200, s8;
	v16 =	vld.idx.msk [tilespmem:v16+s15+$0x0], $0xffff  }
0xc8: {  	v18 =	vor.u32 v1, v8;
	[tilespmem:s8+$0xFFFFFF90] =	vst.add.f32.msk $0xffff, v14  }
0xc9: {  	v14 =	vor.u32 v1, v9;
	v19 =	vld.idx.msk [tilespmem:v21+s15+$0x0], $0xffff  }
0xca: {  	[tilespmem:s8+$0xFFFFFE90] =	vst.add.f32.msk $0xffff, v11  }
0xcb: {  	[tilespmem:s8+$0xFFFFFF10] =	vst.add.f32.msk $0xffff, v15;
	v15 =	vor.u32 v2, v13  }
0xcc: {  	[tilespmem:s8+$0xFFFFFE10] =	vst.add.f32.msk $0xffff, v17;
	v17 =	vor.u32 v1, v10  }
0xcd: {  	v11 =	vmov v16;
	v18 =	vld.idx.msk [tilespmem:v18+s15+$0x0], $0xffff  }
0xce: {  	v14 =	vld.idx.msk [tilespmem:v14+s15+$0x0], $0xffff  }
0xcf: {  	[tilespmem:s8+$0xFFFFFFA0] =	vst.add.f32.msk $0xffff, v19  }
0xd0: {  	v16 =	vor.u32 v2, v8;
	v15 =	vld.idx.msk [tilespmem:v15+s15+$0x0], $0xffff  }
0xd1: {  	v17 =	vld.idx.msk [tilespmem:v17+s15+$0x0], $0xffff  }
0xd2: {  	v19 =	vor.u32 v3, v13;
	[tilespmem:s7+$0xFFFFFE80] =	vst.add.f32.msk $0xffff, v20;
	s7 =	smov.u32 s8  }
0xd3: {  	[tilespmem:s8+$0xFFFFFEA0] =	vst.add.f32.msk $0xffff, v18  }
0xd4: {  	[tilespmem:s8+$0xFFFFFF20] =	vst.add.f32.msk $0xffff, v14;
	v14 =	vor.u32 v2, v9  }
0xd5: {  	v18 =	vor.u32 v2, v10;
	v16 =	vld.idx.msk [tilespmem:v16+s15+$0x0], $0xffff  }
0xd6: {  	[tilespmem:s8+$0xFFFFFFB0] =	vst.add.f32.msk $0xffff, v15  }
0xd7: {  	v15 =	vor.u32 v3, v8;
	v19 =	vld.idx.msk [tilespmem:v19+s15+$0x0], $0xffff  }
0xd8: {  	[tilespmem:s8+$0xFFFFFE20] =	vst.add.f32.msk $0xffff, v17  }
0xd9: {  	v17 =	vor.u32 v4, v13;
	v14 =	vld.idx.msk [tilespmem:v14+s15+$0x0], $0xffff  }
0xda: {  	v18 =	vld.idx.msk [tilespmem:v18+s15+$0x0], $0xffff  }
0xdb: {  	[tilespmem:s8+$0xFFFFFEB0] =	vst.add.f32.msk $0xffff, v16  }
0xdc: {  	v16 =	vor.u32 v3, v9;
	v15 =	vld.idx.msk [tilespmem:v15+s15+$0x0], $0xffff  }
0xdd: {  	v20 =	vor.u32 v3, v10;
	[tilespmem:s8+$0xFFFFFFC0] =	vst.add.f32.msk $0xffff, v19  }
0xde: {  	v17 =	vld.idx.msk [tilespmem:v17+s15+$0x0], $0xffff  }
0xdf: {  	[tilespmem:s8+$0xFFFFFF30] =	vst.add.f32.msk $0xffff, v14  }
0xe0: {  	v14 =	vor.u32 v5, v13;
	[tilespmem:s8+$0xFFFFFE30] =	vst.add.f32.msk $0xffff, v18  }
0xe1: {  	v18 =	vor.u32 v4, v8;
	v16 =	vld.idx.msk [tilespmem:v16+s15+$0x0], $0xffff  }
0xe2: {  	v19 =	vld.idx.msk [tilespmem:v20+s15+$0x0], $0xffff  }
0xe3: {  	[tilespmem:s8+$0xFFFFFEC0] =	vst.add.f32.msk $0xffff, v15  }
0xe4: {  	v15 =	vor.u32 v4, v9;
	[tilespmem:s8+$0xFFFFFFD0] =	vst.add.f32.msk $0xffff, v17  }
0xe5: {  	v17 =	vor.u32 v4, v10;
	v14 =	vld.idx.msk [tilespmem:v14+s15+$0x0], $0xffff  }
0xe6: {  	v18 =	vld.idx.msk [tilespmem:v18+s15+$0x0], $0xffff  }
0xe7: {  	[tilespmem:s8+$0xFFFFFF40] =	vst.add.f32.msk $0xffff, v16;
	v16 =	vor.u32 v6, v13  }
0xe8: {  	[tilespmem:s8+$0xFFFFFE40] =	vst.add.f32.msk $0xffff, v19  }
0xe9: {  	v19 =	vor.u32 v5, v8;
	v15 =	vld.idx.msk [tilespmem:v15+s15+$0x0], $0xffff  }
0xea: {  	v17 =	vld.idx.msk [tilespmem:v17+s15+$0x0], $0xffff  }
0xeb: {  	[tilespmem:s8+$0xFFFFFFE0] =	vst.add.f32.msk $0xffff, v14  }
0xec: {  	v14 =	vor.u32 v5, v9;
	v16 =	vld.idx.msk [tilespmem:v16+s15+$0x0], $0xffff  }
0xed: {  	[tilespmem:s8+$0xFFFFFED0] =	vst.add.f32.msk $0xffff, v18  }
0xee: {  	v13 =	vor.u32 v7, v13;
	v18 =	vld.idx.msk [tilespmem:v19+s15+$0x0], $0xffff  }
0xef: {  	v19 =	vor.u32 v5, v10;
	[tilespmem:s8+$0xFFFFFF50] =	vst.add.f32.msk $0xffff, v15  }
0xf0: {  	[tilespmem:s8+$0xFFFFFE50] =	vst.add.f32.msk $0xffff, v17  }
0xf1: {  	v15 =	vor.u32 v6, v8;
	v20 =	vld.idx.msk [tilespmem:v14+s15+$0x0], $0xffff  }
0xf2: {  	[tilespmem:s8+$0xFFFFFFF0] =	vst.add.f32.msk $0xffff, v16  }
0xf3: {  	v21 =	vor.u32 v6, v9;
	v16 =	vld.idx.msk [tilespmem:v13+s15+$0x0], $0xffff  }
.Ltmp1:
0xf4: {  	v13 =	vld.idx.msk [tilespmem:v19+s15+$0x0], $0xffff;
	(pc) =	sbr.rel @p1 .LBB2_5-.Ltmp1, $4  }
0xf5: {  	[tilespmem:s8+$0xFFFFFEE0] =	vst.add.f32.msk $0xffff, v18  }
0xf6: {  	s3 =	sadd.s32 $0x2, s11;
	v17 =	vor.u32 v6, v10;
	v14 =	vld.idx.msk [tilespmem:v15+s15+$0x0], $0xffff  }
0xf7: {  	v15 =	vmov s3;
	[tilespmem:s8+$0xFFFFFF60] =	vst.add.f32.msk $0xffff, v20  }
0xf8: {  	s11 =	sadd.s32 $0x4, s11;
	v18 =	vor.u32 v7, v8;
	v8 =	vmov v12;
	s3 =	sadd.s32 $0x3, s9;
	v19 =	vand.u32 $0x7E, v15;
	v15 =	vld.idx.msk [tilespmem:v21+s15+$0x0], $0xffff  }
0xf9: {  	_ =	sdelay $0x1  }
0xfa: {  	[tilespmem:s8+$0x0] =	vst.add.f32.msk $0xffff, v16  }
0xfb: {  	v46 =	vmov s3;
	[tilespmem:s8+$0xFFFFFE60] =	vst.add.f32.msk $0xffff, v13  }
0xfc: {  	v12 =	vbroadcast v19, $0x0;
	v9 =	vor.u32 v7, v9;
	s23 =	sadd.s32 $0x200, s8;
	v47 =	vand.u32 $0x7F, v46;
	v17 =	vld.idx.msk [tilespmem:v17+s15+$0x0], $0xffff  }
0xfd: {  	[tilespmem:s23+$0xFFFFFE90] =	vst.add.f32.msk $0xffff, v11;
	v16 =	vbroadcast v47, $0x0  }
0xfe: {  	v13 =	vor.u32 v0, v12;
	[tilespmem:s8+$0xFFFFFEF0] =	vst.add.f32.msk $0xffff, v14;
	v14 =	vmov s9  }
0xff: {  	v18 =	vld.idx.msk [tilespmem:v18+s15+$0x0], $0xffff;
	v14 =	vand.u32 $0x7C, v14;
	v48 =	vor.u32 v0, v16  }
0x100: {  	v10 =	vor.u32 v7, v10;
	[tilespmem:s8+$0xFFFFFF70] =	vst.add.f32.msk $0xffff, v15;
	v14 =	vbroadcast v14, $0x0  }
0x101: {  	v9 =	vld.idx.msk [tilespmem:v9+s15+$0x0], $0xffff  }
0x102: {  	v15 =	vor.u32 v0, v14;
	[tilespmem:s8+$0xFFFFFE70] =	vst.add.f32.msk $0xffff, v17  }
0x103: {  	v13 =	vld.idx.msk [tilespmem:v13+s15+$0x0], $0xffff  }
0x104: {  	v49 =	vld.idx.msk [tilespmem:v48+s15+$0x0], $0xffff  }
0x105: {  	v50 =	vor.u32 v1, v16;
	v10 =	vld.idx.msk [tilespmem:v10+s15+$0x0], $0xffff  }
0x106: {  	[tilespmem:s8+$0xFFFFFF80] =	vst.add.f32.msk $0xffff, v9  }
0x107: {  	v9 =	vld.idx.msk [tilespmem:v15+s15+$0x0], $0xffff  }
0x108: {  	[tilespmem:s8+$0xFFFFFF00] =	vst.add.f32.msk $0xffff, v18;
	v15 =	vor.u32 v1, v8  }
0x109: {  	v51 =	vor.u32 v1, v12;
	[tilespmem:s23+$0xFFFFFF90] =	vst.add.f32.msk $0xffff, v49  }
0x10a: {  	v52 =	vld.idx.msk [tilespmem:v50+s15+$0x0], $0xffff  }
0x10b: {  	v11 =	vor.u32 v2, v16;
	[tilespmem:s23+$0xFFFFFF10] =	vst.add.f32.msk $0xffff, v13  }
0x10c: {  	[tilespmem:s23+$0xFFFFFE10] =	vst.add.f32.msk $0xffff, v9;
	v9 =	vor.u32 v1, v14  }
0x10d: {  	v13 =	vld.idx.msk [tilespmem:v15+s15+$0x0], $0xffff  }
0x10e: {  	v15 =	vld.idx.msk [tilespmem:v51+s15+$0x0], $0xffff  }
0x10f: {  	v53 =	vor.u32 v2, v8;
	[tilespmem:s23+$0xFFFFFFA0] =	vst.add.f32.msk $0xffff, v52  }
0x110: {  	v11 =	vld.idx.msk [tilespmem:v11+s15+$0x0], $0xffff  }
0x111: {  	v9 =	vld.idx.msk [tilespmem:v9+s15+$0x0], $0xffff  }
0x112: {  	[tilespmem:s23+$0xFFFFFEA0] =	vst.add.f32.msk $0xffff, v13;
	v13 =	vor.u32 v2, v12  }
0x113: {  	v54 =	vor.u32 v3, v16;
	[tilespmem:s23+$0xFFFFFF20] =	vst.add.f32.msk $0xffff, v15  }
0x114: {  	v15 =	vor.u32 v2, v14;
	v17 =	vld.idx.msk [tilespmem:v53+s15+$0x0], $0xffff  }
0x115: {  	[tilespmem:s23+$0xFFFFFFB0] =	vst.add.f32.msk $0xffff, v11  }
0x116: {  	v11 =	vor.u32 v3, v8;
	[tilespmem:s23+$0xFFFFFE20] =	vst.add.f32.msk $0xffff, v9  }
0x117: {  	v9 =	vld.idx.msk [tilespmem:v13+s15+$0x0], $0xffff  }
0x118: {  	v18 =	vld.idx.msk [tilespmem:v54+s15+$0x0], $0xffff  }
0x119: {  	v15 =	vld.idx.msk [tilespmem:v15+s15+$0x0], $0xffff  }
0x11a: {  	v55 =	vor.u32 v3, v12;
	[tilespmem:s23+$0xFFFFFEB0] =	vst.add.f32.msk $0xffff, v17  }
0x11b: {  	v13 =	vor.u32 v4, v16;
	v11 =	vld.idx.msk [tilespmem:v11+s15+$0x0], $0xffff  }
0x11c: {  	v56 =	vor.u32 v3, v14;
	[tilespmem:s23+$0xFFFFFF30] =	vst.add.f32.msk $0xffff, v9  }
0x11d: {  	[tilespmem:s23+$0xFFFFFFC0] =	vst.add.f32.msk $0xffff, v18  }
0x11e: {  	[tilespmem:s23+$0xFFFFFE30] =	vst.add.f32.msk $0xffff, v15;
	v15 =	vor.u32 v4, v8  }
0x11f: {  	v17 =	vld.idx.msk [tilespmem:v55+s15+$0x0], $0xffff  }
0x120: {  	v13 =	vld.idx.msk [tilespmem:v13+s15+$0x0], $0xffff  }
0x121: {  	v9 =	vor.u32 v5, v16;
	v57 =	vld.idx.msk [tilespmem:v56+s15+$0x0], $0xffff  }
0x122: {  	[tilespmem:s23+$0xFFFFFEC0] =	vst.add.f32.msk $0xffff, v11  }
0x123: {  	v11 =	vor.u32 v4, v12;
	v15 =	vld.idx.msk [tilespmem:v15+s15+$0x0], $0xffff  }
0x124: {  	[tilespmem:s23+$0xFFFFFF40] =	vst.add.f32.msk $0xffff, v17  }
0x125: {  	[tilespmem:s23+$0xFFFFFFD0] =	vst.add.f32.msk $0xffff, v13;
	v13 =	vor.u32 v4, v14  }
0x126: {  	v9 =	vld.idx.msk [tilespmem:v9+s15+$0x0], $0xffff  }
0x127: {  	v59 =	vor.u32 v5, v8;
	[tilespmem:s23+$0xFFFFFE40] =	vst.add.f32.msk $0xffff, v57  }
0x128: {  	v58 =	vor.u32 v6, v16;
	v11 =	vld.idx.msk [tilespmem:v11+s15+$0x0], $0xffff  }
0x129: {  	[tilespmem:s23+$0xFFFFFED0] =	vst.add.f32.msk $0xffff, v15  }
0x12a: {  	v13 =	vld.idx.msk [tilespmem:v13+s15+$0x0], $0xffff  }
0x12b: {  	[tilespmem:s23+$0xFFFFFFE0] =	vst.add.f32.msk $0xffff, v9;
	v9 =	vor.u32 v5, v12  }
0x12c: {  	v60 =	vor.u32 v5, v14;
	v15 =	vld.idx.msk [tilespmem:v59+s15+$0x0], $0xffff  }
0x12d: {  	v17 =	vld.idx.msk [tilespmem:v58+s15+$0x0], $0xffff  }
0x12e: {  	[tilespmem:s23+$0xFFFFFF50] =	vst.add.f32.msk $0xffff, v11  }
0x12f: {  	v11 =	vor.u32 v6, v8;
	[tilespmem:s23+$0xFFFFFE50] =	vst.add.f32.msk $0xffff, v13  }
0x130: {  	v9 =	vld.idx.msk [tilespmem:v9+s15+$0x0], $0xffff  }
0x131: {  	v61 =	vld.idx.msk [tilespmem:v60+s15+$0x0], $0xffff  }
0x132: {  	v13 =	vor.u32 v6, v12;
	[tilespmem:s23+$0xFFFFFEE0] =	vst.add.f32.msk $0xffff, v15  }
0x133: {  	v15 =	vor.u32 v6, v14;
	[tilespmem:s23+$0xFFFFFFF0] =	vst.add.f32.msk $0xffff, v17  }
0x134: {  	v16 =	vor.u32 v7, v16;
	v11 =	vld.idx.msk [tilespmem:v11+s15+$0x0], $0xffff  }
0x135: {  	[tilespmem:s23+$0xFFFFFF60] =	vst.add.f32.msk $0xffff, v9  }
0x136: {  	v8 =	vor.u32 v7, v8;
	[tilespmem:s23+$0xFFFFFE60] =	vst.add.f32.msk $0xffff, v61  }
0x137: {  	v9 =	vld.idx.msk [tilespmem:v13+s15+$0x0], $0xffff  }
0x138: {  	v13 =	vld.idx.msk [tilespmem:v15+s15+$0x0], $0xffff  }
0x139: {  	v12 =	vor.u32 v7, v12;
	v16 =	vld.idx.msk [tilespmem:v16+s15+$0x0], $0xffff  }
0x13a: {  	[tilespmem:s23+$0xFFFFFEF0] =	vst.add.f32.msk $0xffff, v11;
	v11 =	vor.u32 v7, v14  }
0x13b: {  	v8 =	vld.idx.msk [tilespmem:v8+s15+$0x0], $0xffff  }
0x13c: {  	[tilespmem:s23+$0xFFFFFF70] =	vst.add.f32.msk $0xffff, v9  }
0x13d: {  	[tilespmem:s23+$0xFFFFFE70] =	vst.add.f32.msk $0xffff, v13  }
0x13e: {  	v9 =	vld.idx.msk [tilespmem:v12+s15+$0x0], $0xffff  }
0x13f: {  	v11 =	vld.idx.msk [tilespmem:v11+s15+$0x0], $0xffff  }
0x140: {  	s0 =	smul.u32 $0xC000, s0;
	[tilespmem:s7+$0xFFFFFE80] =	vst.add.f32.msk $0xffff, v10  }
0x141: {  	s24 =	sshll.u32 s5, $0xA;
	[tilespmem:s23+$0x0] =	vst.add.f32.msk $0xffff, v16  }
0x142: {  	s3 =	sor.u32 s24, s0;
	[tilespmem:s23+$0xFFFFFF00] =	vst.add.f32.msk $0xffff, v8  }
0x143: {  	s3 =	sshrl.u32 s3, $0x3;
	[tilespmem:s23+$0xFFFFFF80] =	vst.add.f32.msk $0xffff, v9  }
0x144: {  	p1 =	seq.s32 s30, $0x5F;
	s3 =	sadd.s32 s2, s3;
	[tilespmem:s23+$0xFFFFFE80] =	vst.add.f32.msk $0xffff, v11  }
0x145: {  	[hbm4b:s3+s18] =	stream.strided.scatter [tilespmem:s20], [sflag:$0x3], $0x2000, s19, s18, $0x38;
	[tilespmem:$0x1E000] =	vst v63  }
0x146: {  	s5 =	simm.s32 @!p1 $0x80;
	s7 =	simm.s32 @!p1 $0x12000;
	s3 =	sadd.s32 @!p1 $0x100, s31  }
0x147: {  	[tilespmem:s7], [sflag:$0x1] =	stream.indirect.gather @!p1 [hbm4b:s4+s5], $0x80, s3, s5, $0xb8;
	[tilespmem:$0x1E000] =	vst v63  }
0x148: {  	_ =	swait.ge [sflag:s21], $0x4000  }
0x149: {  	v8 =	vmov s12;
	[sflag:s21] =	ssyncset.done $0x0  }
0x14a: {  	s3 =	simm.s32 @!p0 $0x4;
	[sflag:s21] =	ssyncadd.s32 $0xFFFFC000  }
0x14b: {  	_ =	swait.ge @!p0 [sflag:s3], $0x2000  }
0x14c: {  	[sflag:s3] =	ssyncset.done @!p0 $0x0  }
0x14d: {  	s8 =	simm.s32 $0x0;
	[sflag:s3] =	ssyncadd.s32 @!p0 $0xFFFFE000  }
0x14e: {  	v9 =	vld.idx.msk [tilespmem:v8+s8+$0x2080 ss:$0x1], $0xffff;
	_ =	sdelay $0x4  }
0x14f: {  	v10 =	vld.idx.msk [tilespmem:v8+s8+$0x2000 ss:$0x1], $0xffff;
	[tilespmem:s8+$0x1C080] =	vst v9  }
0x150: {  	v9 =	vld.idx.msk [tilespmem:v8+s8+$0x2090 ss:$0x1], $0xffff;
	_ =	sdelay $0x3  }
0x151: {  	s5 =	simm.s32 $0x100;
	[tilespmem:s8+$0x1C000] =	vst v10  }
0x152: {  	v10 =	vld.idx.msk [tilespmem:v8+s5+$0x2080 ss:$0x1], $0xffff;
	[tilespmem:s8+$0x1C090] =	vst v9  }
0x153: {  	v9 =	vld.idx.msk [tilespmem:v8+s8+$0x20A0 ss:$0x1], $0xffff;
	_ =	sdelay $0x1  }
0x154: {  	v11 =	vld.idx.msk [tilespmem:v8+s8+$0x2010 ss:$0x1], $0xffff  }
0x155: {  	s7 =	simm.s32 $0x200;
	v12 =	vld.idx.msk [tilespmem:v8+s5+$0x2000 ss:$0x1], $0xffff  }
0x156: {  	v13 =	vld.idx.msk [tilespmem:v8+s7+$0x2080 ss:$0x1], $0xffff;
	[tilespmem:s5+$0x1C080] =	vst v10  }
0x157: {  	v10 =	vld.idx.msk [tilespmem:v8+s5+$0x2090 ss:$0x1], $0xffff;
	[tilespmem:s8+$0x1C0A0] =	vst v9  }
0x158: {  	v9 =	vld.idx.msk [tilespmem:v8+s8+$0x20B0 ss:$0x1], $0xffff  }
0x159: {  	v14 =	vld.idx.msk [tilespmem:v8+s7+$0x2000 ss:$0x1], $0xffff;
	[tilespmem:s8+$0x1C010] =	vst v11  }
0x15a: {  	s9 =	simm.s32 $0x300;
	[tilespmem:s5+$0x1C000] =	vst v12;
	v11 =	vld.idx.msk [tilespmem:v8+s8+$0x2020 ss:$0x1], $0xffff  }
0x15b: {  	v15 =	vld.idx.msk [tilespmem:v8+s9+$0x2080 ss:$0x1], $0xffff;
	[tilespmem:s7+$0x1C080] =	vst v13  }
0x15c: {  	v12 =	vld.idx.msk [tilespmem:v8+s5+$0x2010 ss:$0x1], $0xffff;
	[tilespmem:s5+$0x1C090] =	vst v10  }
0x15d: {  	v10 =	vld.idx.msk [tilespmem:v8+s5+$0x20A0 ss:$0x1], $0xffff;
	[tilespmem:s8+$0x1C0B0] =	vst v9  }
0x15e: {  	[tilespmem:s7+$0x1C000] =	vst v14;
	v9 =	vld.idx.msk [tilespmem:v8+s8+$0x20C0 ss:$0x1], $0xffff  }
0x15f: {  	v13 =	vld.idx.msk [tilespmem:v8+s7+$0x2090 ss:$0x1], $0xffff;
	[tilespmem:s8+$0x1C020] =	vst v11  }
0x160: {  	[tilespmem:s9+$0x1C080] =	vst v15;
	v11 =	vld.idx.msk [tilespmem:v8+s8+$0x2030 ss:$0x1], $0xffff  }
0x161: {  	v14 =	vld.idx.msk [tilespmem:v8+s7+$0x2010 ss:$0x1], $0xffff;
	[tilespmem:s5+$0x1C010] =	vst v12  }
0x162: {  	v12 =	vld.idx.msk [tilespmem:v8+s5+$0x2020 ss:$0x1], $0xffff;
	[tilespmem:s5+$0x1C0A0] =	vst v10  }
0x163: {  	v10 =	vld.idx.msk [tilespmem:v8+s5+$0x20B0 ss:$0x1], $0xffff;
	[tilespmem:s8+$0x1C0C0] =	vst v9  }
0x164: {  	[tilespmem:s7+$0x1C090] =	vst v13;
	v9 =	vld.idx.msk [tilespmem:v8+s8+$0x20D0 ss:$0x1], $0xffff  }
0x165: {  	v62 =	vld.idx.msk [tilespmem:v8+s9+$0x2090 ss:$0x1], $0xffff;
	[tilespmem:s8+$0x1C030] =	vst v11  }
0x166: {  	[tilespmem:s7+$0x1C010] =	vst v14;
	v11 =	vld.idx.msk [tilespmem:v8+s8+$0x2040 ss:$0x1], $0xffff  }
0x167: {  	v14 =	vld.idx.msk [tilespmem:v8+s9+$0x2000 ss:$0x1], $0xffff;
	[tilespmem:s5+$0x1C020] =	vst v12  }
0x168: {  	v12 =	vld.idx.msk [tilespmem:v8+s5+$0x2030 ss:$0x1], $0xffff;
	[tilespmem:s5+$0x1C0B0] =	vst v10  }
0x169: {  	v10 =	vld.idx.msk [tilespmem:v8+s5+$0x20C0 ss:$0x1], $0xffff;
	[tilespmem:s8+$0x1C0D0] =	vst v9  }
0x16a: {  	[tilespmem:s9+$0x1C090] =	vst v62;
	v9 =	vld.idx.msk [tilespmem:v8+s8+$0x20E0 ss:$0x1], $0xffff  }
0x16b: {  	v13 =	vld.idx.msk [tilespmem:v8+s7+$0x20A0 ss:$0x1], $0xffff;
	[tilespmem:s8+$0x1C040] =	vst v11  }
0x16c: {  	[tilespmem:s9+$0x1C000] =	vst v14;
	v11 =	vld.idx.msk [tilespmem:v8+s8+$0x2050 ss:$0x1], $0xffff  }
0x16d: {  	v14 =	vld.idx.msk [tilespmem:v8+s9+$0x20A0 ss:$0x1], $0xffff;
	[tilespmem:s5+$0x1C030] =	vst v12  }
0x16e: {  	v12 =	vld.idx.msk [tilespmem:v8+s7+$0x2020 ss:$0x1], $0xffff;
	[tilespmem:s5+$0x1C0C0] =	vst v10  }
0x16f: {  	v10 =	vld.idx.msk [tilespmem:v8+s5+$0x20D0 ss:$0x1], $0xffff;
	[tilespmem:s8+$0x1C0E0] =	vst v9  }
0x170: {  	[tilespmem:s7+$0x1C0A0] =	vst v13;
	v9 =	vld.idx.msk [tilespmem:v8+s8+$0x20F0 ss:$0x1], $0xffff  }
0x171: {  	[tilespmem:s8+$0x1C050] =	vst v11;
	v11 =	vld.idx.msk [tilespmem:v8+s7+$0x20B0 ss:$0x1], $0xffff  }
0x172: {  	v15 =	vld.idx.msk [tilespmem:v8+s5+$0x2040 ss:$0x1], $0xffff  }
0x173: {  	s1 =	sor.u32 $0x1, s1;
	[tilespmem:s7+$0x1C020] =	vst v12;
	v63 =	vld.idx.msk [tilespmem:v8+s8+$0x2060 ss:$0x1], $0xffff  }
0x174: {  	s31 =	smulhi.u32 $0x2AAAAAAB, s1;
	v13 =	vld.idx.msk [tilespmem:v8+s9+$0x2010 ss:$0x1], $0xffff;
	[tilespmem:s5+$0x1C0D0] =	vst v10  }
0x175: {  	[tilespmem:s8+$0x1C0F0] =	vst v9;
	v9 =	vld.idx.msk [tilespmem:v8+s5+$0x20E0 ss:$0x1], $0xffff  }
0x176: {  	s3 =	smul.u32 $0x6, s31;
	v12 =	vld.idx.msk [tilespmem:v8+s7+$0x2030 ss:$0x1], $0xffff;
	[tilespmem:s7+$0x1C0B0] =	vst v11  }
0x177: {  	s30 =	sadd.s32 $0x1, s30;
	s10 =	simm.s32 $0x0;
	[tilespmem:s5+$0x1C040] =	vst v15;
	v11 =	vld.idx.msk [tilespmem:v8+s7+$0x20C0 ss:$0x1], $0xffff  }
0x178: {  	s11 =	simm.s32 $0x1000;
	s1 =	ssub.s32 s1, s3;
	s3 =	simm.s32 $0x6;
	v10 =	vld.idx.msk [tilespmem:v8+s5+$0x2050 ss:$0x1], $0xffff;
	[tilespmem:s8+$0x1C060] =	vst v63  }
.LBB2_7:
0x179: {  	s12 =	sshra.s32 s11, $0x2;
	s3 =	sadd.s32 $0x2, s3;
	[tilespmem:s9+$0x1C010] =	vst v13;
	v13 =	vld.idx.msk [tilespmem:v8+s8+$0x2070 ss:$0x1], $0xffff  }
0x17a: {  	v15 =	vld.idx.msk [tilespmem:v8+s12+$0x2080 ss:$0x1], $0xffff;
	p0 =	slt.u32 s3, $0x3E;
	[tilespmem:s5+$0x1C0E0] =	vst v9  }
0x17b: {  	[tilespmem:s7+$0x1C030] =	vst v12;
	v9 =	vld.idx.msk [tilespmem:v8+s5+$0x20F0 ss:$0x1], $0xffff  }
0x17c: {  	v12 =	vld.idx.msk [tilespmem:v8+s12+$0x2000 ss:$0x1], $0xffff;
	[tilespmem:s7+$0x1C0C0] =	vst v11  }
0x17d: {  	v11 =	vld.idx.msk [tilespmem:v8+s7+$0x20D0 ss:$0x1], $0xffff;
	[tilespmem:s5+$0x1C050] =	vst v10  }
0x17e: {  	v10 =	vld.idx.msk [tilespmem:v8+s9+$0x2020 ss:$0x1], $0xffff;
	[tilespmem:s9+$0x1C0A0] =	vst v14  }
0x17f: {  	v14 =	vld.idx.msk [tilespmem:v8+s9+$0x20B0 ss:$0x1], $0xffff;
	[tilespmem:s8+$0x1C070] =	vst v13;
	s8 =	smov.u32 s5;
	s5 =	smov.u32 s7;
	s7 =	smov.u32 s9  }
0x180: {  	s9 =	smov.u32 s12;
	[tilespmem:s12+$0x1C080] =	vst v15;
	v15 =	vld.idx.msk [tilespmem:v8+s5+$0x2040 ss:$0x1], $0xffff  }
0x181: {  	v16 =	vld.idx.msk [tilespmem:v8+s9+$0x2090 ss:$0x1], $0xffff;
	[tilespmem:s8+$0x1C0F0] =	vst v9  }
0x182: {  	[tilespmem:s9+$0x1C000] =	vst v12;
	v17 =	vld.idx.msk [tilespmem:v8+s8+$0x2060 ss:$0x1], $0xffff  }
0x183: {  	v13 =	vld.idx.msk [tilespmem:v8+s9+$0x2010 ss:$0x1], $0xffff;
	[tilespmem:s5+$0x1C0D0] =	vst v11  }
.Ltmp2:
0x184: {  	[tilespmem:s7+$0x1C020] =	vst v10;
	v9 =	vld.idx.msk [tilespmem:v8+s5+$0x20E0 ss:$0x1], $0xffff;
	(pc) =	sbr.rel @p0 .LBB2_7-.Ltmp2, $4  }
0x185: {  	v12 =	vld.idx.msk [tilespmem:v8+s7+$0x2030 ss:$0x1], $0xffff;
	[tilespmem:s7+$0x1C0B0] =	vst v14  }
0x186: {  	v11 =	vld.idx.msk [tilespmem:v8+s7+$0x20C0 ss:$0x1], $0xffff;
	[tilespmem:s5+$0x1C040] =	vst v15  }
0x187: {  	[tilespmem:s9+$0x1C090] =	vst v16;
	v10 =	vld.idx.msk [tilespmem:v8+s5+$0x2050 ss:$0x1], $0xffff  }
0x188: {  	s11 =	sadd.s32 $0x400, s11;
	v14 =	vld.idx.msk [tilespmem:v8+s9+$0x20A0 ss:$0x1], $0xffff;
	[tilespmem:s8+$0x1C060] =	vst v17  }
0x189: {  	_ =	sdelay $0x2  }
0x18a: {  	[tilespmem:s9+$0x1C010] =	vst v13  }
0x18b: {  	v13 =	vld.idx.msk [tilespmem:v8+s9+$0x2020 ss:$0x1], $0xffff;
	_ =	sdelay $0x3  }
0x18c: {  	[tilespmem:s9+$0x1C0A0] =	vst v14  }
0x18d: {  	v14 =	vld.idx.msk [tilespmem:v8+s9+$0x20B0 ss:$0x1], $0xffff;
	[tilespmem:s9+$0x1C020] =	vst v13  }
0x18e: {  	v13 =	vld.idx.msk [tilespmem:v8+s9+$0x2030 ss:$0x1], $0xffff;
	_ =	sdelay $0x2  }
0x18f: {  	[tilespmem:s7+$0x1C030] =	vst v12  }
0x190: {  	v12 =	vld.idx.msk [tilespmem:v8+s7+$0x2040 ss:$0x1], $0xffff;
	[tilespmem:s9+$0x1C0B0] =	vst v14  }
0x191: {  	v14 =	vld.idx.msk [tilespmem:v8+s9+$0x20C0 ss:$0x1], $0xffff;
	[tilespmem:s9+$0x1C030] =	vst v13  }
0x192: {  	[tilespmem:s7+$0x1C0C0] =	vst v11;
	v13 =	vld.idx.msk [tilespmem:v8+s9+$0x2040 ss:$0x1], $0xffff  }
0x193: {  	[tilespmem:s5+$0x1C0E0] =	vst v9;
	v11 =	vld.idx.msk [tilespmem:v8+s7+$0x20D0 ss:$0x1], $0xffff  }
0x194: {  	[tilespmem:s5+$0x1C050] =	vst v10  }
0x195: {  	v10 =	vld.idx.msk [tilespmem:v8+s5+$0x2060 ss:$0x1], $0xffff;
	[tilespmem:s7+$0x1C040] =	vst v12  }
0x196: {  	v12 =	vld.idx.msk [tilespmem:v8+s7+$0x2050 ss:$0x1], $0xffff;
	[tilespmem:s9+$0x1C0C0] =	vst v14  }
0x197: {  	v14 =	vld.idx.msk [tilespmem:v8+s9+$0x20D0 ss:$0x1], $0xffff;
	[tilespmem:s9+$0x1C040] =	vst v13  }
0x198: {  	[tilespmem:s7+$0x1C0D0] =	vst v11;
	v9 =	vld.idx.msk [tilespmem:v8+s9+$0x2050 ss:$0x1], $0xffff  }
0x199: {  	v11 =	vld.idx.msk [tilespmem:v8+s7+$0x20E0 ss:$0x1], $0xffff  }
0x19a: {  	[tilespmem:s5+$0x1C060] =	vst v10;
	v13 =	vld.idx.msk [tilespmem:v8+s8+$0x2070 ss:$0x1], $0xffff  }
0x19b: {  	v10 =	vld.idx.msk [tilespmem:v8+s5+$0x2070 ss:$0x1], $0xffff;
	[tilespmem:s7+$0x1C050] =	vst v12  }
0x19c: {  	v12 =	vld.idx.msk [tilespmem:v8+s7+$0x2060 ss:$0x1], $0xffff;
	[tilespmem:s9+$0x1C0D0] =	vst v14  }
0x19d: {  	v14 =	vld.idx.msk [tilespmem:v8+s9+$0x20E0 ss:$0x1], $0xffff;
	[tilespmem:s9+$0x1C050] =	vst v9  }
0x19e: {  	[tilespmem:s7+$0x1C0E0] =	vst v11;
	v9 =	vld.idx.msk [tilespmem:v8+s9+$0x2060 ss:$0x1], $0xffff  }
0x19f: {  	[tilespmem:s8+$0x1C070] =	vst v13;
	v13 =	vld.idx.msk [tilespmem:v8+s5+$0x20F0 ss:$0x1], $0xffff  }
0x1a0: {  	s3 =	simm.s32 $0x3;
	[tilespmem:s5+$0x1C070] =	vst v10  }
0x1a1: {  	s12 =	simm.s32 $0x1;
	s24 =	simm.s32 $0x5;
	v11 =	vld.idx.msk [tilespmem:v8+s7+$0x20F0 ss:$0x1], $0xffff;
	[tilespmem:s7+$0x1C060] =	vst v12;
	v12 =	vmov s3  }
0x1a2: {  	s23 =	simm.s32 $0x2;
	v15 =	vmov s12;
	v10 =	vmov s24;
	v16 =	vld.idx.msk [tilespmem:v8+s7+$0x2070 ss:$0x1], $0xffff;
	v12 =	vand.u32 $0x7F, v12;
	[tilespmem:s9+$0x1C0E0] =	vst v14  }
0x1a3: {  	v12 =	vbroadcast v12, $0x0;
	v14 =	vmov s23;
	v17 =	vld.idx.msk [tilespmem:v8+s9+$0x20F0 ss:$0x1], $0xffff;
	[tilespmem:s9+$0x1C060] =	vst v9;
	v9 =	vand.u32 $0x7D, v15  }
0x1a4: {  	[tilespmem:s5+$0x1C0F0] =	vst v13;
	v14 =	vand.u32 $0x7E, v14;
	v13 =	vld.idx.msk [tilespmem:v8+s9+$0x2070 ss:$0x1], $0xffff;
	v15 =	vbroadcast v9, $0x0;
	v8 =	vmov s10  }
0x1a5: {  	v9 =	vbroadcast v14, $0x0;
	v14 =	vor.u32 v0, v12;
	v8 =	vand.u32 $0x7C, v8  }
0x1a6: {  	v18 =	vand.u32 $0x7D, v10;
	[tilespmem:s7+$0x1C0F0] =	vst v11;
	v11 =	vor.u32 v0, v15;
	v10 =	vbroadcast v8, $0x0  }
0x1a7: {  	[tilespmem:s7+$0x1C070] =	vst v16;
	v16 =	vor.u32 v0, v9;
	v8 =	vbroadcast v18, $0x0  }
0x1a8: {  	[tilespmem:s9+$0x1C0F0] =	vst v17;
	v17 =	vor.u32 v0, v10  }
0x1a9: {  	[tilespmem:s9+$0x1C070] =	vst v13;
	v13 =	vor.u32 v0, v8  }
0x1aa: {  	v14 =	vld.idx.msk [tilespmem:v14+s16+$0x0], $0xffff  }
0x1ab: {  	v19 =	vor.u32 v1, v12;
	v18 =	vld.idx.msk [tilespmem:v11+s16+$0x0], $0xffff  }
0x1ac: {  	v16 =	vld.idx.msk [tilespmem:v16+s16+$0x0], $0xffff  }
0x1ad: {  	v17 =	vld.idx.msk [tilespmem:v17+s16+$0x0], $0xffff  }
0x1ae: {  	s7 =	simm.s32 $0x1C1F0;
	v11 =	vld.idx.msk [tilespmem:v13+s16+$0x0], $0xffff  }
0x1af: {  	v13 =	vor.u32 v1, v15;
	[tilespmem:s7+$0xFFFFFF90] =	vst.add.f32.msk $0xffff, v14  }
0x1b0: {  	v14 =	vor.u32 v1, v9;
	v19 =	vld.idx.msk [tilespmem:v19+s16+$0x0], $0xffff  }
0x1b1: {  	[tilespmem:s7+$0xFFFFFE90] =	vst.add.f32.msk $0xffff, v18  }
0x1b2: {  	[tilespmem:s7+$0xFFFFFF10] =	vst.add.f32.msk $0xffff, v16;
	v16 =	vor.u32 v2, v12  }
0x1b3: {  	[tilespmem:s7+$0xFFFFFE10] =	vst.add.f32.msk $0xffff, v17;
	v17 =	vor.u32 v1, v10  }
0x1b4: {  	v13 =	vld.idx.msk [tilespmem:v13+s16+$0x0], $0xffff  }
0x1b5: {  	v14 =	vld.idx.msk [tilespmem:v14+s16+$0x0], $0xffff  }
0x1b6: {  	v18 =	vor.u32 v2, v15;
	[tilespmem:s7+$0xFFFFFFA0] =	vst.add.f32.msk $0xffff, v19  }
0x1b7: {  	v16 =	vld.idx.msk [tilespmem:v16+s16+$0x0], $0xffff  }
0x1b8: {  	v19 =	vor.u32 v3, v12;
	v17 =	vld.idx.msk [tilespmem:v17+s16+$0x0], $0xffff  }
0x1b9: {  	[tilespmem:s7+$0xFFFFFEA0] =	vst.add.f32.msk $0xffff, v13  }
0x1ba: {  	v13 =	vor.u32 v2, v9;
	[tilespmem:s7+$0xFFFFFF20] =	vst.add.f32.msk $0xffff, v14  }
0x1bb: {  	v14 =	vor.u32 v2, v10;
	v18 =	vld.idx.msk [tilespmem:v18+s16+$0x0], $0xffff  }
0x1bc: {  	[tilespmem:s7+$0xFFFFFFB0] =	vst.add.f32.msk $0xffff, v16  }
0x1bd: {  	v16 =	vor.u32 v3, v15;
	v19 =	vld.idx.msk [tilespmem:v19+s16+$0x0], $0xffff  }
0x1be: {  	[tilespmem:s7+$0xFFFFFE20] =	vst.add.f32.msk $0xffff, v17  }
0x1bf: {  	v17 =	vor.u32 v4, v12;
	v13 =	vld.idx.msk [tilespmem:v13+s16+$0x0], $0xffff  }
0x1c0: {  	v14 =	vld.idx.msk [tilespmem:v14+s16+$0x0], $0xffff  }
0x1c1: {  	[tilespmem:s7+$0xFFFFFEB0] =	vst.add.f32.msk $0xffff, v18  }
0x1c2: {  	v18 =	vor.u32 v3, v9;
	v16 =	vld.idx.msk [tilespmem:v16+s16+$0x0], $0xffff  }
0x1c3: {  	v20 =	vor.u32 v3, v10;
	[tilespmem:s7+$0xFFFFFFC0] =	vst.add.f32.msk $0xffff, v19  }
0x1c4: {  	v17 =	vld.idx.msk [tilespmem:v17+s16+$0x0], $0xffff  }
0x1c5: {  	[tilespmem:s7+$0xFFFFFF30] =	vst.add.f32.msk $0xffff, v13  }
0x1c6: {  	v13 =	vor.u32 v5, v12;
	[tilespmem:s7+$0xFFFFFE30] =	vst.add.f32.msk $0xffff, v14  }
0x1c7: {  	v14 =	vor.u32 v4, v15;
	v18 =	vld.idx.msk [tilespmem:v18+s16+$0x0], $0xffff  }
0x1c8: {  	v19 =	vld.idx.msk [tilespmem:v20+s16+$0x0], $0xffff  }
0x1c9: {  	[tilespmem:s7+$0xFFFFFEC0] =	vst.add.f32.msk $0xffff, v16  }
0x1ca: {  	v16 =	vor.u32 v4, v9;
	[tilespmem:s7+$0xFFFFFFD0] =	vst.add.f32.msk $0xffff, v17  }
0x1cb: {  	v17 =	vor.u32 v4, v10;
	v13 =	vld.idx.msk [tilespmem:v13+s16+$0x0], $0xffff  }
0x1cc: {  	v14 =	vld.idx.msk [tilespmem:v14+s16+$0x0], $0xffff  }
0x1cd: {  	[tilespmem:s7+$0xFFFFFF40] =	vst.add.f32.msk $0xffff, v18  }
0x1ce: {  	v18 =	vor.u32 v6, v12;
	[tilespmem:s7+$0xFFFFFE40] =	vst.add.f32.msk $0xffff, v19  }
0x1cf: {  	v19 =	vor.u32 v5, v15;
	v16 =	vld.idx.msk [tilespmem:v16+s16+$0x0], $0xffff  }
0x1d0: {  	v17 =	vld.idx.msk [tilespmem:v17+s16+$0x0], $0xffff  }
0x1d1: {  	[tilespmem:s7+$0xFFFFFFE0] =	vst.add.f32.msk $0xffff, v13  }
0x1d2: {  	v13 =	vor.u32 v5, v9;
	[tilespmem:s7+$0xFFFFFED0] =	vst.add.f32.msk $0xffff, v14  }
0x1d3: {  	v18 =	vld.idx.msk [tilespmem:v18+s16+$0x0], $0xffff  }
0x1d4: {  	v14 =	vld.idx.msk [tilespmem:v19+s16+$0x0], $0xffff;
	v19 =	vor.u32 v5, v10  }
0x1d5: {  	v12 =	vor.u32 v7, v12;
	[tilespmem:s7+$0xFFFFFF50] =	vst.add.f32.msk $0xffff, v16  }
0x1d6: {  	[tilespmem:s7+$0xFFFFFE50] =	vst.add.f32.msk $0xffff, v17  }
0x1d7: {  	v17 =	vor.u32 v6, v15;
	v20 =	vld.idx.msk [tilespmem:v13+s16+$0x0], $0xffff  }
0x1d8: {  	[tilespmem:s7+$0xFFFFFFF0] =	vst.add.f32.msk $0xffff, v18  }
0x1d9: {  	v21 =	vor.u32 v6, v9;
	v13 =	vld.idx.msk [tilespmem:v19+s16+$0x0], $0xffff  }
0x1da: {  	v16 =	vld.idx.msk [tilespmem:v12+s16+$0x0], $0xffff  }
0x1db: {  	[tilespmem:s7+$0xFFFFFEE0] =	vst.add.f32.msk $0xffff, v14  }
0x1dc: {  	s31 =	simm.s32 $0x6;
	v14 =	vld.idx.msk [tilespmem:v17+s16+$0x0], $0xffff;
	v17 =	vor.u32 v6, v10  }
0x1dd: {  	s3 =	simm.s32 $0x7;
	v12 =	vmov s31;
	[tilespmem:s7+$0xFFFFFF60] =	vst.add.f32.msk $0xffff, v20  }
0x1de: {  	s8 =	simm.s32 $0x4;
	s5 =	simm.s32 $0x1C1F0;
	s9 =	simm.s32 $0x8;
	v18 =	vor.u32 v7, v15;
	v19 =	vand.u32 $0x7E, v12;
	v15 =	vld.idx.msk [tilespmem:v21+s16+$0x0], $0xffff  }
.LBB2_9:
0x1df: {  	p0 =	slt.u32 s9, $0x3C;
	v12 =	vbroadcast v19, $0x0;
	v19 =	vmov s3;
	[tilespmem:s7+$0x0] =	vst.add.f32.msk $0xffff, v16  }
0x1e0: {  	v16 =	vand.u32 $0x7F, v19;
	[tilespmem:s7+$0xFFFFFE60] =	vst.add.f32.msk $0xffff, v13;
	v19 =	vor.u32 v7, v9  }
0x1e1: {  	v20 =	vor.u32 v0, v12;
	v13 =	vbroadcast v16, $0x0;
	v16 =	vld.idx.msk [tilespmem:v17+s16+$0x0], $0xffff;
	v9 =	vmov v12  }
0x1e2: {  	[tilespmem:s7+$0xFFFFFEF0] =	vst.add.f32.msk $0xffff, v14  }
0x1e3: {  	s3 =	sadd.s32 $0x1, s9;
	v12 =	vmov s8;
	s8 =	smov.u32 s9;
	v14 =	vor.u32 v0, v13;
	v17 =	vld.idx.msk [tilespmem:v18+s16+$0x0], $0xffff  }
0x1e4: {  	v21 =	vor.u32 v7, v10;
	v12 =	vand.u32 $0x7C, v12;
	v18 =	vmov s3;
	[tilespmem:s7+$0xFFFFFF70] =	vst.add.f32.msk $0xffff, v15  }
0x1e5: {  	v10 =	vbroadcast v12, $0x0;
	v15 =	vand.u32 $0x7D, v18;
	v18 =	vld.idx.msk [tilespmem:v19+s16+$0x0], $0xffff  }
0x1e6: {  	v12 =	vbroadcast v15, $0x0;
	v15 =	vld.idx.msk [tilespmem:v20+s16+$0x0], $0xffff  }
0x1e7: {  	v19 =	vor.u32 v0, v10;
	[tilespmem:s7+$0xFFFFFE70] =	vst.add.f32.msk $0xffff, v16  }
0x1e8: {  	v16 =	vor.u32 v0, v12;
	v14 =	vld.idx.msk [tilespmem:v14+s16+$0x0], $0xffff  }
0x1e9: {  	v20 =	vld.idx.msk [tilespmem:v21+s16+$0x0], $0xffff  }
0x1ea: {  	v21 =	vor.u32 v1, v13;
	[tilespmem:s7+$0xFFFFFF00] =	vst.add.f32.msk $0xffff, v17  }
0x1eb: {  	[tilespmem:s7+$0xFFFFFF80] =	vst.add.f32.msk $0xffff, v18  }
0x1ec: {  	v17 =	vld.idx.msk [tilespmem:v19+s16+$0x0], $0xffff  }
0x1ed: {  	s7 =	sadd.s32 $0x200, s7;
	v16 =	vld.idx.msk [tilespmem:v16+s16+$0x0], $0xffff  }
0x1ee: {  	v18 =	vor.u32 v1, v8;
	[tilespmem:s7+$0xFFFFFF90] =	vst.add.f32.msk $0xffff, v14  }
0x1ef: {  	v14 =	vor.u32 v1, v9;
	v19 =	vld.idx.msk [tilespmem:v21+s16+$0x0], $0xffff  }
0x1f0: {  	[tilespmem:s7+$0xFFFFFE90] =	vst.add.f32.msk $0xffff, v11  }
0x1f1: {  	[tilespmem:s7+$0xFFFFFF10] =	vst.add.f32.msk $0xffff, v15;
	v15 =	vor.u32 v2, v13  }
0x1f2: {  	[tilespmem:s7+$0xFFFFFE10] =	vst.add.f32.msk $0xffff, v17;
	v17 =	vor.u32 v1, v10  }
0x1f3: {  	v11 =	vmov v16;
	v18 =	vld.idx.msk [tilespmem:v18+s16+$0x0], $0xffff  }
0x1f4: {  	v14 =	vld.idx.msk [tilespmem:v14+s16+$0x0], $0xffff  }
0x1f5: {  	[tilespmem:s7+$0xFFFFFFA0] =	vst.add.f32.msk $0xffff, v19  }
0x1f6: {  	v16 =	vor.u32 v2, v8;
	v15 =	vld.idx.msk [tilespmem:v15+s16+$0x0], $0xffff  }
0x1f7: {  	v17 =	vld.idx.msk [tilespmem:v17+s16+$0x0], $0xffff  }
0x1f8: {  	v19 =	vor.u32 v3, v13;
	[tilespmem:s5+$0xFFFFFE80] =	vst.add.f32.msk $0xffff, v20;
	s5 =	smov.u32 s7  }
0x1f9: {  	[tilespmem:s7+$0xFFFFFEA0] =	vst.add.f32.msk $0xffff, v18  }
0x1fa: {  	[tilespmem:s7+$0xFFFFFF20] =	vst.add.f32.msk $0xffff, v14;
	v14 =	vor.u32 v2, v9  }
0x1fb: {  	v18 =	vor.u32 v2, v10;
	v16 =	vld.idx.msk [tilespmem:v16+s16+$0x0], $0xffff  }
0x1fc: {  	[tilespmem:s7+$0xFFFFFFB0] =	vst.add.f32.msk $0xffff, v15  }
0x1fd: {  	v15 =	vor.u32 v3, v8;
	v19 =	vld.idx.msk [tilespmem:v19+s16+$0x0], $0xffff  }
0x1fe: {  	[tilespmem:s7+$0xFFFFFE20] =	vst.add.f32.msk $0xffff, v17  }
0x1ff: {  	v17 =	vor.u32 v4, v13;
	v14 =	vld.idx.msk [tilespmem:v14+s16+$0x0], $0xffff  }
0x200: {  	v18 =	vld.idx.msk [tilespmem:v18+s16+$0x0], $0xffff  }
0x201: {  	[tilespmem:s7+$0xFFFFFEB0] =	vst.add.f32.msk $0xffff, v16  }
0x202: {  	v16 =	vor.u32 v3, v9;
	v15 =	vld.idx.msk [tilespmem:v15+s16+$0x0], $0xffff  }
0x203: {  	v20 =	vor.u32 v3, v10;
	[tilespmem:s7+$0xFFFFFFC0] =	vst.add.f32.msk $0xffff, v19  }
0x204: {  	v17 =	vld.idx.msk [tilespmem:v17+s16+$0x0], $0xffff  }
0x205: {  	[tilespmem:s7+$0xFFFFFF30] =	vst.add.f32.msk $0xffff, v14  }
0x206: {  	v14 =	vor.u32 v5, v13;
	[tilespmem:s7+$0xFFFFFE30] =	vst.add.f32.msk $0xffff, v18  }
0x207: {  	v18 =	vor.u32 v4, v8;
	v16 =	vld.idx.msk [tilespmem:v16+s16+$0x0], $0xffff  }
0x208: {  	v19 =	vld.idx.msk [tilespmem:v20+s16+$0x0], $0xffff  }
0x209: {  	[tilespmem:s7+$0xFFFFFEC0] =	vst.add.f32.msk $0xffff, v15  }
0x20a: {  	v15 =	vor.u32 v4, v9;
	[tilespmem:s7+$0xFFFFFFD0] =	vst.add.f32.msk $0xffff, v17  }
0x20b: {  	v17 =	vor.u32 v4, v10;
	v14 =	vld.idx.msk [tilespmem:v14+s16+$0x0], $0xffff  }
0x20c: {  	v18 =	vld.idx.msk [tilespmem:v18+s16+$0x0], $0xffff  }
0x20d: {  	[tilespmem:s7+$0xFFFFFF40] =	vst.add.f32.msk $0xffff, v16;
	v16 =	vor.u32 v6, v13  }
0x20e: {  	[tilespmem:s7+$0xFFFFFE40] =	vst.add.f32.msk $0xffff, v19  }
0x20f: {  	v19 =	vor.u32 v5, v8;
	v15 =	vld.idx.msk [tilespmem:v15+s16+$0x0], $0xffff  }
0x210: {  	v17 =	vld.idx.msk [tilespmem:v17+s16+$0x0], $0xffff  }
0x211: {  	[tilespmem:s7+$0xFFFFFFE0] =	vst.add.f32.msk $0xffff, v14  }
0x212: {  	v14 =	vor.u32 v5, v9;
	v16 =	vld.idx.msk [tilespmem:v16+s16+$0x0], $0xffff  }
0x213: {  	[tilespmem:s7+$0xFFFFFED0] =	vst.add.f32.msk $0xffff, v18  }
0x214: {  	v13 =	vor.u32 v7, v13;
	v18 =	vld.idx.msk [tilespmem:v19+s16+$0x0], $0xffff  }
0x215: {  	v19 =	vor.u32 v5, v10;
	[tilespmem:s7+$0xFFFFFF50] =	vst.add.f32.msk $0xffff, v15  }
0x216: {  	[tilespmem:s7+$0xFFFFFE50] =	vst.add.f32.msk $0xffff, v17  }
0x217: {  	v15 =	vor.u32 v6, v8;
	v20 =	vld.idx.msk [tilespmem:v14+s16+$0x0], $0xffff  }
0x218: {  	[tilespmem:s7+$0xFFFFFFF0] =	vst.add.f32.msk $0xffff, v16  }
0x219: {  	v21 =	vor.u32 v6, v9;
	v16 =	vld.idx.msk [tilespmem:v13+s16+$0x0], $0xffff  }
.Ltmp3:
0x21a: {  	v13 =	vld.idx.msk [tilespmem:v19+s16+$0x0], $0xffff;
	(pc) =	sbr.rel @p0 .LBB2_9-.Ltmp3, $4  }
0x21b: {  	[tilespmem:s7+$0xFFFFFEE0] =	vst.add.f32.msk $0xffff, v18  }
0x21c: {  	s3 =	sadd.s32 $0x2, s9;
	v17 =	vor.u32 v6, v10;
	v14 =	vld.idx.msk [tilespmem:v15+s16+$0x0], $0xffff  }
0x21d: {  	v15 =	vmov s3;
	[tilespmem:s7+$0xFFFFFF60] =	vst.add.f32.msk $0xffff, v20  }
0x21e: {  	s9 =	sadd.s32 $0x4, s9;
	v18 =	vor.u32 v7, v8;
	v8 =	vmov v12;
	s3 =	sadd.s32 $0x3, s8;
	v19 =	vand.u32 $0x7E, v15;
	v15 =	vld.idx.msk [tilespmem:v21+s16+$0x0], $0xffff  }
0x21f: {  	_ =	sdelay $0x1  }
0x220: {  	[tilespmem:s7+$0x0] =	vst.add.f32.msk $0xffff, v16  }
0x221: {  	[tilespmem:s7+$0xFFFFFE60] =	vst.add.f32.msk $0xffff, v13  }
0x222: {  	v9 =	vor.u32 v7, v9;
	s31 =	sadd.s32 $0x200, s7;
	v17 =	vld.idx.msk [tilespmem:v17+s16+$0x0], $0xffff  }
0x223: {  	v12 =	vbroadcast v19, $0x0;
	v24 =	vmov s3;
	v33 =	vor.u32 v1, v8;
	[tilespmem:s31+$0xFFFFFE90] =	vst.add.f32.msk $0xffff, v11  }
0x224: {  	v25 =	vand.u32 $0x7F, v24;
	[tilespmem:s7+$0xFFFFFEF0] =	vst.add.f32.msk $0xffff, v14  }
0x225: {  	v27 =	vmov s8;
	v26 =	vor.u32 v0, v12;
	v16 =	vbroadcast v25, $0x0;
	v18 =	vld.idx.msk [tilespmem:v18+s16+$0x0], $0xffff  }
0x226: {  	v14 =	vand.u32 $0x7C, v27;
	[tilespmem:s7+$0xFFFFFF70] =	vst.add.f32.msk $0xffff, v15  }
0x227: {  	v14 =	vbroadcast v14, $0x0;
	v28 =	vor.u32 v0, v16;
	v9 =	vld.idx.msk [tilespmem:v9+s16+$0x0], $0xffff  }
0x228: {  	v38 =	vld.idx.msk [tilespmem:v33+s16+$0x0], $0xffff  }
0x229: {  	v29 =	vor.u32 v0, v14;
	[tilespmem:s7+$0xFFFFFE70] =	vst.add.f32.msk $0xffff, v17  }
0x22a: {  	v13 =	vld.idx.msk [tilespmem:v26+s16+$0x0], $0xffff  }
0x22b: {  	v40 =	vor.u32 v2, v8;
	[tilespmem:s7+$0xFFFFFF00] =	vst.add.f32.msk $0xffff, v18  }
0x22c: {  	v30 =	vld.idx.msk [tilespmem:v28+s16+$0x0], $0xffff  }
0x22d: {  	v34 =	vor.u32 v1, v12;
	[tilespmem:s7+$0xFFFFFF80] =	vst.add.f32.msk $0xffff, v9  }
0x22e: {  	v32 =	vld.idx.msk [tilespmem:v29+s16+$0x0], $0xffff  }
0x22f: {  	v31 =	vor.u32 v1, v16;
	[tilespmem:s31+$0xFFFFFEA0] =	vst.add.f32.msk $0xffff, v38  }
0x230: {  	v17 =	vld.idx.msk [tilespmem:v40+s16+$0x0], $0xffff  }
0x231: {  	v37 =	vor.u32 v1, v14;
	[tilespmem:s31+$0xFFFFFF10] =	vst.add.f32.msk $0xffff, v13  }
0x232: {  	v39 =	vld.idx.msk [tilespmem:v34+s16+$0x0], $0xffff  }
0x233: {  	v42 =	vor.u32 v2, v12;
	[tilespmem:s31+$0xFFFFFF90] =	vst.add.f32.msk $0xffff, v30  }
0x234: {  	v35 =	vld.idx.msk [tilespmem:v31+s16+$0x0], $0xffff  }
0x235: {  	v36 =	vor.u32 v2, v16;
	[tilespmem:s31+$0xFFFFFE10] =	vst.add.f32.msk $0xffff, v32  }
0x236: {  	v9 =	vld.idx.msk [tilespmem:v37+s16+$0x0], $0xffff  }
0x237: {  	[tilespmem:s31+$0xFFFFFF20] =	vst.add.f32.msk $0xffff, v39  }
0x238: {  	v43 =	vor.u32 v2, v14;
	v45 =	vld.idx.msk [tilespmem:v42+s16+$0x0], $0xffff  }
0x239: {  	[tilespmem:s31+$0xFFFFFFA0] =	vst.add.f32.msk $0xffff, v35  }
0x23a: {  	v11 =	vld.idx.msk [tilespmem:v36+s16+$0x0], $0xffff  }
0x23b: {  	v44 =	vor.u32 v3, v8;
	[tilespmem:s31+$0xFFFFFEB0] =	vst.add.f32.msk $0xffff, v17  }
0x23c: {  	v41 =	vor.u32 v3, v16;
	[tilespmem:s31+$0xFFFFFE20] =	vst.add.f32.msk $0xffff, v9  }
0x23d: {  	v47 =	vor.u32 v3, v12;
	v15 =	vld.idx.msk [tilespmem:v43+s16+$0x0], $0xffff  }
0x23e: {  	[tilespmem:s31+$0xFFFFFF30] =	vst.add.f32.msk $0xffff, v45  }
0x23f: {  	v48 =	vor.u32 v3, v14;
	[tilespmem:s31+$0xFFFFFFB0] =	vst.add.f32.msk $0xffff, v11  }
0x240: {  	v11 =	vld.idx.msk [tilespmem:v44+s16+$0x0], $0xffff  }
0x241: {  	v18 =	vld.idx.msk [tilespmem:v41+s16+$0x0], $0xffff  }
0x242: {  	v50 =	vor.u32 v4, v8;
	v17 =	vld.idx.msk [tilespmem:v47+s16+$0x0], $0xffff  }
0x243: {  	v46 =	vor.u32 v4, v16;
	[tilespmem:s31+$0xFFFFFE30] =	vst.add.f32.msk $0xffff, v15  }
0x244: {  	v51 =	vld.idx.msk [tilespmem:v48+s16+$0x0], $0xffff  }
0x245: {  	v52 =	vor.u32 v4, v12;
	[tilespmem:s31+$0xFFFFFEC0] =	vst.add.f32.msk $0xffff, v11  }
0x246: {  	[tilespmem:s31+$0xFFFFFFC0] =	vst.add.f32.msk $0xffff, v18  }
0x247: {  	v15 =	vld.idx.msk [tilespmem:v50+s16+$0x0], $0xffff  }
0x248: {  	v13 =	vld.idx.msk [tilespmem:v46+s16+$0x0], $0xffff  }
0x249: {  	v53 =	vor.u32 v4, v14;
	[tilespmem:s31+$0xFFFFFF40] =	vst.add.f32.msk $0xffff, v17  }
0x24a: {  	v55 =	vor.u32 v5, v8;
	v11 =	vld.idx.msk [tilespmem:v52+s16+$0x0], $0xffff  }
0x24b: {  	v49 =	vor.u32 v5, v16;
	[tilespmem:s31+$0xFFFFFE40] =	vst.add.f32.msk $0xffff, v51  }
0x24c: {  	[tilespmem:s31+$0xFFFFFED0] =	vst.add.f32.msk $0xffff, v15  }
0x24d: {  	[tilespmem:s31+$0xFFFFFFD0] =	vst.add.f32.msk $0xffff, v13  }
0x24e: {  	v13 =	vld.idx.msk [tilespmem:v53+s16+$0x0], $0xffff  }
0x24f: {  	v15 =	vld.idx.msk [tilespmem:v55+s16+$0x0], $0xffff  }
0x250: {  	v9 =	vld.idx.msk [tilespmem:v49+s16+$0x0], $0xffff  }
0x251: {  	v56 =	vor.u32 v5, v12  }
0x252: {  	v57 =	vor.u32 v5, v14;
	[tilespmem:s31+$0xFFFFFF50] =	vst.add.f32.msk $0xffff, v11  }
0x253: {  	v58 =	vor.u32 v6, v8;
	[tilespmem:s31+$0xFFFFFE50] =	vst.add.f32.msk $0xffff, v13  }
0x254: {  	v10 =	vor.u32 v7, v10;
	[tilespmem:s31+$0xFFFFFEE0] =	vst.add.f32.msk $0xffff, v15  }
0x255: {  	v54 =	vor.u32 v6, v16;
	[tilespmem:s31+$0xFFFFFFE0] =	vst.add.f32.msk $0xffff, v9  }
0x256: {  	v9 =	vld.idx.msk [tilespmem:v56+s16+$0x0], $0xffff  }
0x257: {  	v60 =	vld.idx.msk [tilespmem:v57+s16+$0x0], $0xffff  }
0x258: {  	v11 =	vld.idx.msk [tilespmem:v58+s16+$0x0], $0xffff  }
0x259: {  	v59 =	vor.u32 v6, v12;
	v10 =	vld.idx.msk [tilespmem:v10+s16+$0x0], $0xffff  }
0x25a: {  	v61 =	vor.u32 v6, v14;
	v17 =	vld.idx.msk [tilespmem:v54+s16+$0x0], $0xffff  }
0x25b: {  	[tilespmem:s31+$0xFFFFFF60] =	vst.add.f32.msk $0xffff, v9  }
0x25c: {  	v8 =	vor.u32 v7, v8;
	[tilespmem:s31+$0xFFFFFE60] =	vst.add.f32.msk $0xffff, v60  }
0x25d: {  	v16 =	vor.u32 v7, v16;
	[tilespmem:s31+$0xFFFFFEF0] =	vst.add.f32.msk $0xffff, v11  }
0x25e: {  	v9 =	vld.idx.msk [tilespmem:v59+s16+$0x0], $0xffff  }
0x25f: {  	v62 =	vld.idx.msk [tilespmem:v61+s16+$0x0], $0xffff  }
0x260: {  	v12 =	vor.u32 v7, v12;
	[tilespmem:s31+$0xFFFFFFF0] =	vst.add.f32.msk $0xffff, v17  }
0x261: {  	v63 =	vor.u32 v7, v14;
	v8 =	vld.idx.msk [tilespmem:v8+s16+$0x0], $0xffff  }
0x262: {  	v16 =	vld.idx.msk [tilespmem:v16+s16+$0x0], $0xffff  }
0x263: {  	[tilespmem:s31+$0xFFFFFF70] =	vst.add.f32.msk $0xffff, v9  }
0x264: {  	[tilespmem:s31+$0xFFFFFE70] =	vst.add.f32.msk $0xffff, v62  }
0x265: {  	v9 =	vld.idx.msk [tilespmem:v12+s16+$0x0], $0xffff  }
0x266: {  	v11 =	vld.idx.msk [tilespmem:v63+s16+$0x0], $0xffff  }
0x267: {  	p0 =	sne.s32 s30, $0x60;
	[tilespmem:s5+$0xFFFFFE80] =	vst.add.f32.msk $0xffff, v10  }
.Ltmp4:
0x268: {  	s1 =	sshll.u32 s1, $0xA;
	[tilespmem:s31+$0xFFFFFF00] =	vst.add.f32.msk $0xffff, v8;
	(pc) =	sbr.rel @p0 .LBB2_2-.Ltmp4, $4  }
0x269: {  	s0 =	sor.u32 s0, s1;
	[tilespmem:s31+$0x0] =	vst.add.f32.msk $0xffff, v16  }
0x26a: {  	s29 =	sadd.s32 $0x4000, s29;
	s0 =	sshrl.u32 s0, $0x3;
	[tilespmem:s31+$0xFFFFFF80] =	vst.add.f32.msk $0xffff, v9  }
0x26b: {  	s28 =	sadd.s32 $0x2, s28;
	s26 =	sadd.s32 $0x2, s26;
	s0 =	sadd.s32 s2, s0;
	[tilespmem:s31+$0xFFFFFE80] =	vst.add.f32.msk $0xffff, v11  }
0x26c: {  	[hbm4b:s0+s18] =	stream.strided.scatter [tilespmem:s22], [sflag:$0x4], $0x2000, s19, s18, $0x38;
	[tilespmem:$0x1E000] =	vst v63  }
0x26d: {  	s0 =	simm.s32 $0x3  }
0x26e: {  	_ =	swait.ge [sflag:s0], $0x2000  }
0x26f: {  	[sflag:s0] =	ssyncset.done $0x0  }
0x270: {  	s1 =	simm.s32 $0x4;
	[sflag:s0] =	ssyncadd.s32 $0xFFFFE000  }
0x271: {  	_ =	swait.ge [sflag:s1], $0x2000  }
0x272: {  	s25 =	sadd.s32 $0x1, s25;
	s31 =	rddreg [dreg:$0x5]  }
0x273: {  	p0 =	sne.s32 s25, s31  }
.Ltmp5:
0x274: {  	_ = 	snop;
	(pc) =	sbr.rel @p0 .LBB2_1-.Ltmp5, $3  }
0x275: {  	_ =	sdelay $0x1  }
0x276: {  	[sflag:s1] =	ssyncset.done $0x0  }
0x277: {  	[sflag:s1] =	ssyncadd.s32 $0xFFFFE000  }
0x278: {  	_ =	sfence.sel $0x180000  }
0x279: {  	[bflag:$0x0] =	sbarrier.arrive $0xFFFF  }
0x27a: {  	_ =	strace $0x90000047  }
0x27b: {  	s0 =	stileid.u32;
	[bflag:$0x2] =	sbarrier.arrive $0xFFFF  }
0x27c: {  	p0 =	sne.s32 s0, $0x0;
	s0 =	rddreg [dreg:$0x2]  }
0x27d: {  	s0 =	sadd.s32 @!p0 $0x100000, s0  }
0x27e: {  	[sflag:s0] =	ssyncadd.tile.s32 @!p0 $0x1;
	_ =	shalt  }
.Lfunc_end2:
_tile_overlayer_lowered:
.L_overlay_start_2:
0x27f: {  	(tag) =	ssettag $0x2  }
0x280: {  	s0 =	rddreg [dreg:$0x0];
	s2 =	stileid.u32  }
0x281: {  	s1 =	rddreg [dreg:$0x1];
	p0 =	sne.s32 s2, $0x0  }
0x282: {  	s3 =	rddreg [dreg:$0x2];
	[bflag:$0x3] =	sbarrier.arrive $0xFFFF;
	s2 =	simm.s32 @!p0 $0x1C05  }
0x283: {  	[timem:s3], [sflag:s2] =	dma.local @!p0 [hbm:s0], s1  }
0x284: {  	s0 =	simm.s32 @!p0 $0x5  }
0x285: {  	_ =	swait.ge @!p0 [sflag:s0], s1  }
0x286: {  	s1 =	ssub.s32 @!p0 $0x0, s1;
	[sflag:s0] =	ssyncset.done @!p0 $0x0  }
0x287: {  	[sflag:s0] =	ssyncadd.s32 @!p0 s1  }
0x288: {  	[bflag:$0x3] =	sbarrier.arrive $0xFFFF  }
0x289: {  	_ =	shalt  }

</sc_bundles>
